<compile_context>
chip_gen: v7x
topology: tpu7x:2x2x1
jax: 0.10.2.dev20260603
libtpu: 0.0.44.dev20260713+nightly
codegen_flags: <defaults>
</compile_context>

<pallas_src>
import functools

import jax
import jax.numpy as jnp
from jax import lax
from jax.experimental import pallas as pl
from jax.experimental.pallas import tpu as pltpu
from jax.experimental.pallas import tpu_sc as plsc

_N = 16384
_D = 784
_K = 10
_NK = _N * _K

_NUM_WORKERS = 32
_CHUNK = _NK // _NUM_WORKERS
_PTS = _CHUNK // _K
_LANES = 16



def _mlp_body(xt_ref, w1_ref, b1_ref, w2_ref, b2_ref, w3_ref, b3_ref,
              wo_ref, bo_ref, px_ref, py_ref):
    h = lax.dot_general(
        xt_ref[...], w1_ref[...],
        dimension_numbers=(((0,), (0,)), ((), ())),
        preferred_element_type=jnp.float32,
    )
    h = jnp.maximum(h + b1_ref[...], 0.0)
    h = lax.dot_general(
        h, w2_ref[...],
        dimension_numbers=(((1,), (1,)), ((), ())),
        preferred_element_type=jnp.float32,
    )
    h = jnp.maximum(h + b2_ref[...], 0.0)
    h = lax.dot_general(
        h, w3_ref[...],
        dimension_numbers=(((1,), (1,)), ((), ())),
        preferred_element_type=jnp.float32,
    )
    h = jnp.maximum(h + b3_ref[...], 0.0)
    out = (
        lax.dot_general(
            wo_ref[...], h,
            dimension_numbers=(((1,), (1,)), ((), ())),
            preferred_element_type=jnp.float32,
        )
        + bo_ref[...]
    )
    px_ref[...] = out[0]
    py_ref[...] = out[1]


def _make_mlp(block_rows):
    grid = (_N // block_rows,)
    fixed = lambda i: (0, 0)
    return pl.pallas_call(
        _mlp_body,
        grid=grid,
        in_specs=[
            pl.BlockSpec((_D, block_rows), lambda i: (0, i)),
            pl.BlockSpec((_D, 128), fixed),
            pl.BlockSpec((1, 128), fixed),
            pl.BlockSpec((64, 128), fixed),
            pl.BlockSpec((1, 64), fixed),
            pl.BlockSpec((32, 64), fixed),
            pl.BlockSpec((1, 32), fixed),
            pl.BlockSpec((2, 32), fixed),
            pl.BlockSpec((2, 1), fixed),
        ],
        out_specs=[pl.BlockSpec((block_rows,), lambda i: (i,)),
                   pl.BlockSpec((block_rows,), lambda i: (i,))],
        out_shape=[jax.ShapeDtypeStruct((_N,), jnp.float32),
                   jax.ShapeDtypeStruct((_N,), jnp.float32)],
    )


_mlp = _make_mlp(4096)



_sc_mesh = plsc.VectorSubcoreMesh(core_axis_name="c", subcore_axis_name="s")


@functools.partial(
    pl.kernel,
    mesh=_sc_mesh,
    compiler_params=pltpu.CompilerParams(needs_layout_passes=False),
    out_type=jax.ShapeDtypeStruct((_NK,), jnp.float32),
    scratch_types=[
        pltpu.VMEM((2 * _N,), jnp.float32),
        pltpu.VMEM((_CHUNK,), jnp.int32),
        pltpu.VMEM((_CHUNK,), jnp.float32),
        pltpu.SemaphoreType.DMA,
    ],
)
def _sc_dists(px_hbm, py_hbm, nidxt_hbm, out_hbm, tab_v, nidx_v, out_v, sem):
    wid = lax.axis_index("s") * 2 + lax.axis_index("c")
    base = wid * _CHUNK
    i0 = wid * _PTS
    copies = [pltpu.async_copy(px_hbm, tab_v.at[pl.ds(0, _N)], sem),
              pltpu.async_copy(py_hbm, tab_v.at[pl.ds(_N, _N)], sem)]
    for k in range(_K):
        copies.append(pltpu.async_copy(
            nidxt_hbm.at[pl.ds(k * _N + i0, _PTS)],
            nidx_v.at[pl.ds(k * _PTS, _PTS)],
            sem,
        ))
    for c in copies:
        c.wait()
    lane = lax.iota(jnp.int32, _LANES)
    oidx0 = lane * _K

    @plsc.parallel_loop(0, _PTS // _LANES, 1, unroll=2)
    def body(j):
        off = j * _LANES
        ax = tab_v[pl.ds(i0 + off, _LANES)]
        ay = tab_v[pl.ds(_N + i0 + off, _LANES)]
        obase = oidx0 + off * _K
        for k in range(_K):
            ni = nidx_v[pl.ds(k * _PTS + off, _LANES)]
            bx = plsc.load_gather(tab_v, [ni])
            by = plsc.load_gather(tab_v, [ni + _N])
            dx = ax - bx
            dy = ay - by
            plsc.store_scatter(out_v, [obase + k], dx * dx + dy * dy)

    pltpu.sync_copy(out_v, out_hbm.at[pl.ds(base, _CHUNK)])



def kernel(data, idxs, W1, b1, W2, b2, W3, b3, Wo, bo):
    px, py = _mlp(
        data.T,
        W1, b1.reshape(1, -1),
        W2.T, b2.reshape(1, -1),
        W3.T, b3.reshape(1, -1),
        Wo.T, bo.reshape(-1, 1),
    )
    nidxt = idxs.T.reshape(-1).astype(jnp.int32)
    dists = _sc_dists(px, py, nidxt)
    return dists.reshape(-1, 1)

# --- scband reference (transcript-rebuilt; emitter-appended) ---
"""Pipeline reference for scband-reducer-10754598109972 (READ-ONLY COPY).

The authoritative reference and input builder live on the scoring server;
editing this copy changes nothing except your own understanding.
"""

import jax, jax.numpy as jnp
import numpy as np

N = 16384
D = 784
K = 10
OUT = 2


def _linear_params(key, fan_in, fan_out):
    k1, k2 = jax.random.split(key)
    s = 1.0 / np.sqrt(fan_in)
    W = jax.random.uniform(k1, (fan_in, fan_out), minval=-s, maxval=s, dtype=jnp.float32)
    b = jax.random.uniform(k2, (fan_out,), minval=-s, maxval=s, dtype=jnp.float32)
    return W, b


def setup_inputs(seed: int = 0) -> dict:
    key = jax.random.key(seed)
    ks = jax.random.split(key, 6)
    data = jax.random.normal(ks[0], (N, D), dtype=jnp.float32)
    # In the original module idxs come from a BallTree k-NN query over `data`;
    # they are precomputed integer neighbor indices in [0, N).
    idxs = jax.random.randint(ks[1], (N, K), 0, N)
    W1, b1 = _linear_params(ks[2], D, 128)
    W2, b2 = _linear_params(ks[3], 128, 64)
    W3, b3 = _linear_params(ks[4], 64, 32)
    Wo, bo = _linear_params(ks[5], 32, OUT)
    return {"data": data, "idxs": idxs, "W1": W1, "b1": b1, "W2": W2, "b2": b2,
            "W3": W3, "b3": b3, "Wo": Wo, "bo": bo}


def reference(data, idxs, W1, b1, W2, b2, W3, b3, Wo, bo):
    # MLP([cols, 128, 64, 32]) with ReLU after each Linear, then out_layer
    h = jax.nn.relu(data @ W1 + b1)
    h = jax.nn.relu(h @ W2 + b2)
    h = jax.nn.relu(h @ W3 + b3)
    projected = h @ Wo + bo  # [N, OUT]
    # gather projected neighbors and compute squared euclidean distances
    proj_neighbors = jnp.take(projected, idxs, axis=0)  # [N, K, OUT]
    proj_points = projected[:, None, :]                 # [N, 1, OUT]
    proj_dists = jnp.sum((proj_points - proj_neighbors) ** 2, axis=-1)  # [N, K]
    return proj_dists.reshape(-1, 1)  # [N*K, 1]

if __name__ == "__main__":
    import jax
    _d = setup_inputs()
    print(jax.jit(kernel)(*tuple(_d.values())))

</pallas_src>

<mosaic_0001>
#map = affine_map<(d0, d1) -> (0)>
module attributes {stable_mosaic.version = 14 : i64} {
  func.func @_sc_dists(%arg0: i32, %arg1: i32, %arg2: memref<16384xf32, #tpu.memory_space<hbm>>, %arg3: memref<16384xf32, #tpu.memory_space<hbm>>, %arg4: memref<163840xi32, #tpu.memory_space<hbm>>, %arg5: memref<163840xf32, #tpu.memory_space<hbm>>, %arg6: memref<32768xf32, #tpu.memory_space<vmem>>, %arg7: memref<5120xi32, #tpu.memory_space<vmem>>, %arg8: memref<5120xf32, #tpu.memory_space<vmem>>, %arg9: memref<!tpu.dma_semaphore, #tpu.memory_space<semaphore_mem>>) attributes {dimension_semantics = [#tpu.dimension_semantics<core_parallel>, #tpu.dimension_semantics<subcore_parallel>], iteration_bounds = array<i64: 2, 16>, scalar_prefetch = 0 : i64, scratch_operands = 4 : i64, tpu.core_type = #tpu.core_type<sc_vector_subcore>, window_params = [{transform_indices = #map}, {transform_indices = #map}, {transform_indices = #map}, {transform_indices = #map}]} {
    %mul3A = arith.constant 2 : i32
    %mul3A_0 = arith.muli %arg1, %mul3A : i32
    %add3A = arith.addi %mul3A_0, %arg0 : i32
    %mul3A_1 = arith.constant 5120 : i32
    %mul3A_2 = arith.muli %add3A, %mul3A_1 : i32
    %mul3A_3 = arith.constant 512 : i32
    %mul3A_4 = arith.muli %add3A, %mul3A_3 : i32
    %dma_start3A = arith.constant 0 : i32
    %dma_start3A_5 = tpu.memref_slice %arg6[%dma_start3A] : memref<32768xf32, #tpu.memory_space<vmem>> -> memref<16384xf32, #tpu.memory_space<vmem>>
    %dma_start3A_6 = arith.constant 0 : i32
    %dma_start3A_7 = tpu.memref_slice %arg6[%dma_start3A_6] : memref<32768xf32, #tpu.memory_space<vmem>> -> memref<16384xf32, #tpu.memory_space<vmem>>
    tpu.enqueue_dma source(%arg2 : memref<16384xf32, #tpu.memory_space<hbm>>) target(%dma_start3A_7 : memref<16384xf32, #tpu.memory_space<vmem>>) target_semaphore(%arg9 : memref<!tpu.dma_semaphore, #tpu.memory_space<semaphore_mem>>)
    %dma_start3A_8 = arith.constant 16384 : i32
    %dma_start3A_9 = tpu.memref_slice %arg6[%dma_start3A_8] : memref<32768xf32, #tpu.memory_space<vmem>> -> memref<16384xf32, #tpu.memory_space<vmem>>
    %dma_start3A_10 = arith.constant 16384 : i32
    %dma_start3A_11 = tpu.memref_slice %arg6[%dma_start3A_10] : memref<32768xf32, #tpu.memory_space<vmem>> -> memref<16384xf32, #tpu.memory_space<vmem>>
    tpu.enqueue_dma source(%arg3 : memref<16384xf32, #tpu.memory_space<hbm>>) target(%dma_start3A_11 : memref<16384xf32, #tpu.memory_space<vmem>>) target_semaphore(%arg9 : memref<!tpu.dma_semaphore, #tpu.memory_space<semaphore_mem>>)
    %add3A_12 = arith.constant 0 : i32
    %add3A_13 = arith.addi %add3A_12, %mul3A_4 : i32
    %dma_start3A_14 = arith.constant 0 : i32
    %dma_start3A_15 = tpu.memref_slice %arg7[%dma_start3A_14] : memref<5120xi32, #tpu.memory_space<vmem>> -> memref<512xi32, #tpu.memory_space<vmem>>
    %dma_start3A_16 = tpu.memref_slice %arg4[%add3A_13] : memref<163840xi32, #tpu.memory_space<hbm>> -> memref<512xi32, #tpu.memory_space<hbm>>
    %dma_start3A_17 = arith.constant 0 : i32
    %dma_start3A_18 = tpu.memref_slice %arg7[%dma_start3A_17] : memref<5120xi32, #tpu.memory_space<vmem>> -> memref<512xi32, #tpu.memory_space<vmem>>
    %dma_start3A_19 = tpu.memref_slice %arg4[%add3A_13] : memref<163840xi32, #tpu.memory_space<hbm>> -> memref<512xi32, #tpu.memory_space<hbm>>
    tpu.enqueue_dma source(%dma_start3A_19 : memref<512xi32, #tpu.memory_space<hbm>>) target(%dma_start3A_18 : memref<512xi32, #tpu.memory_space<vmem>>) target_semaphore(%arg9 : memref<!tpu.dma_semaphore, #tpu.memory_space<semaphore_mem>>)
    %add3A_20 = arith.constant 16384 : i32
    %add3A_21 = arith.addi %add3A_20, %mul3A_4 : i32
    %dma_start3A_22 = arith.constant 512 : i32
    %dma_start3A_23 = tpu.memref_slice %arg7[%dma_start3A_22] : memref<5120xi32, #tpu.memory_space<vmem>> -> memref<512xi32, #tpu.memory_space<vmem>>
    %dma_start3A_24 = tpu.memref_slice %arg4[%add3A_21] : memref<163840xi32, #tpu.memory_space<hbm>> -> memref<512xi32, #tpu.memory_space<hbm>>
    %dma_start3A_25 = arith.constant 512 : i32
    %dma_start3A_26 = tpu.memref_slice %arg7[%dma_start3A_25] : memref<5120xi32, #tpu.memory_space<vmem>> -> memref<512xi32, #tpu.memory_space<vmem>>
    %dma_start3A_27 = tpu.memref_slice %arg4[%add3A_21] : memref<163840xi32, #tpu.memory_space<hbm>> -> memref<512xi32, #tpu.memory_space<hbm>>
    tpu.enqueue_dma source(%dma_start3A_27 : memref<512xi32, #tpu.memory_space<hbm>>) target(%dma_start3A_26 : memref<512xi32, #tpu.memory_space<vmem>>) target_semaphore(%arg9 : memref<!tpu.dma_semaphore, #tpu.memory_space<semaphore_mem>>)
    %add3A_28 = arith.constant 32768 : i32
    %add3A_29 = arith.addi %add3A_28, %mul3A_4 : i32
    %dma_start3A_30 = arith.constant 1024 : i32
    %dma_start3A_31 = tpu.memref_slice %arg7[%dma_start3A_30] : memref<5120xi32, #tpu.memory_space<vmem>> -> memref<512xi32, #tpu.memory_space<vmem>>
    %dma_start3A_32 = tpu.memref_slice %arg4[%add3A_29] : memref<163840xi32, #tpu.memory_space<hbm>> -> memref<512xi32, #tpu.memory_space<hbm>>
    %dma_start3A_33 = arith.constant 1024 : i32
    %dma_start3A_34 = tpu.memref_slice %arg7[%dma_start3A_33] : memref<5120xi32, #tpu.memory_space<vmem>> -> memref<512xi32, #tpu.memory_space<vmem>>
    %dma_start3A_35 = tpu.memref_slice %arg4[%add3A_29] : memref<163840xi32, #tpu.memory_space<hbm>> -> memref<512xi32, #tpu.memory_space<hbm>>
    tpu.enqueue_dma source(%dma_start3A_35 : memref<512xi32, #tpu.memory_space<hbm>>) target(%dma_start3A_34 : memref<512xi32, #tpu.memory_space<vmem>>) target_semaphore(%arg9 : memref<!tpu.dma_semaphore, #tpu.memory_space<semaphore_mem>>)
    %add3A_36 = arith.constant 49152 : i32
    %add3A_37 = arith.addi %add3A_36, %mul3A_4 : i32
    %dma_start3A_38 = arith.constant 1536 : i32
    %dma_start3A_39 = tpu.memref_slice %arg7[%dma_start3A_38] : memref<5120xi32, #tpu.memory_space<vmem>> -> memref<512xi32, #tpu.memory_space<vmem>>
    %dma_start3A_40 = tpu.memref_slice %arg4[%add3A_37] : memref<163840xi32, #tpu.memory_space<hbm>> -> memref<512xi32, #tpu.memory_space<hbm>>
    %dma_start3A_41 = arith.constant 1536 : i32
    %dma_start3A_42 = tpu.memref_slice %arg7[%dma_start3A_41] : memref<5120xi32, #tpu.memory_space<vmem>> -> memref<512xi32, #tpu.memory_space<vmem>>
    %dma_start3A_43 = tpu.memref_slice %arg4[%add3A_37] : memref<163840xi32, #tpu.memory_space<hbm>> -> memref<512xi32, #tpu.memory_space<hbm>>
    tpu.enqueue_dma source(%dma_start3A_43 : memref<512xi32, #tpu.memory_space<hbm>>) target(%dma_start3A_42 : memref<512xi32, #tpu.memory_space<vmem>>) target_semaphore(%arg9 : memref<!tpu.dma_semaphore, #tpu.memory_space<semaphore_mem>>)
    %add3A_44 = arith.constant 65536 : i32
    %add3A_45 = arith.addi %add3A_44, %mul3A_4 : i32
    %dma_start3A_46 = arith.constant 2048 : i32
    %dma_start3A_47 = tpu.memref_slice %arg7[%dma_start3A_46] : memref<5120xi32, #tpu.memory_space<vmem>> -> memref<512xi32, #tpu.memory_space<vmem>>
    %dma_start3A_48 = tpu.memref_slice %arg4[%add3A_45] : memref<163840xi32, #tpu.memory_space<hbm>> -> memref<512xi32, #tpu.memory_space<hbm>>
    %dma_start3A_49 = arith.constant 2048 : i32
    %dma_start3A_50 = tpu.memref_slice %arg7[%dma_start3A_49] : memref<5120xi32, #tpu.memory_space<vmem>> -> memref<512xi32, #tpu.memory_space<vmem>>
    %dma_start3A_51 = tpu.memref_slice %arg4[%add3A_45] : memref<163840xi32, #tpu.memory_space<hbm>> -> memref<512xi32, #tpu.memory_space<hbm>>
    tpu.enqueue_dma source(%dma_start3A_51 : memref<512xi32, #tpu.memory_space<hbm>>) target(%dma_start3A_50 : memref<512xi32, #tpu.memory_space<vmem>>) target_semaphore(%arg9 : memref<!tpu.dma_semaphore, #tpu.memory_space<semaphore_mem>>)
    %add3A_52 = arith.constant 81920 : i32
    %add3A_53 = arith.addi %add3A_52, %mul3A_4 : i32
    %dma_start3A_54 = arith.constant 2560 : i32
    %dma_start3A_55 = tpu.memref_slice %arg7[%dma_start3A_54] : memref<5120xi32, #tpu.memory_space<vmem>> -> memref<512xi32, #tpu.memory_space<vmem>>
    %dma_start3A_56 = tpu.memref_slice %arg4[%add3A_53] : memref<163840xi32, #tpu.memory_space<hbm>> -> memref<512xi32, #tpu.memory_space<hbm>>
    %dma_start3A_57 = arith.constant 2560 : i32
    %dma_start3A_58 = tpu.memref_slice %arg7[%dma_start3A_57] : memref<5120xi32, #tpu.memory_space<vmem>> -> memref<512xi32, #tpu.memory_space<vmem>>
    %dma_start3A_59 = tpu.memref_slice %arg4[%add3A_53] : memref<163840xi32, #tpu.memory_space<hbm>> -> memref<512xi32, #tpu.memory_space<hbm>>
    tpu.enqueue_dma source(%dma_start3A_59 : memref<512xi32, #tpu.memory_space<hbm>>) target(%dma_start3A_58 : memref<512xi32, #tpu.memory_space<vmem>>) target_semaphore(%arg9 : memref<!tpu.dma_semaphore, #tpu.memory_space<semaphore_mem>>)
    %add3A_60 = arith.constant 98304 : i32
    %add3A_61 = arith.addi %add3A_60, %mul3A_4 : i32
    %dma_start3A_62 = arith.constant 3072 : i32
    %dma_start3A_63 = tpu.memref_slice %arg7[%dma_start3A_62] : memref<5120xi32, #tpu.memory_space<vmem>> -> memref<512xi32, #tpu.memory_space<vmem>>
    %dma_start3A_64 = tpu.memref_slice %arg4[%add3A_61] : memref<163840xi32, #tpu.memory_space<hbm>> -> memref<512xi32, #tpu.memory_space<hbm>>
    %dma_start3A_65 = arith.constant 3072 : i32
    %dma_start3A_66 = tpu.memref_slice %arg7[%dma_start3A_65] : memref<5120xi32, #tpu.memory_space<vmem>> -> memref<512xi32, #tpu.memory_space<vmem>>
    %dma_start3A_67 = tpu.memref_slice %arg4[%add3A_61] : memref<163840xi32, #tpu.memory_space<hbm>> -> memref<512xi32, #tpu.memory_space<hbm>>
    tpu.enqueue_dma source(%dma_start3A_67 : memref<512xi32, #tpu.memory_space<hbm>>) target(%dma_start3A_66 : memref<512xi32, #tpu.memory_space<vmem>>) target_semaphore(%arg9 : memref<!tpu.dma_semaphore, #tpu.memory_space<semaphore_mem>>)
    %add3A_68 = arith.constant 114688 : i32
    %add3A_69 = arith.addi %add3A_68, %mul3A_4 : i32
    %dma_start3A_70 = arith.constant 3584 : i32
    %dma_start3A_71 = tpu.memref_slice %arg7[%dma_start3A_70] : memref<5120xi32, #tpu.memory_space<vmem>> -> memref<512xi32, #tpu.memory_space<vmem>>
    %dma_start3A_72 = tpu.memref_slice %arg4[%add3A_69] : memref<163840xi32, #tpu.memory_space<hbm>> -> memref<512xi32, #tpu.memory_space<hbm>>
    %dma_start3A_73 = arith.constant 3584 : i32
    %dma_start3A_74 = tpu.memref_slice %arg7[%dma_start3A_73] : memref<5120xi32, #tpu.memory_space<vmem>> -> memref<512xi32, #tpu.memory_space<vmem>>
    %dma_start3A_75 = tpu.memref_slice %arg4[%add3A_69] : memref<163840xi32, #tpu.memory_space<hbm>> -> memref<512xi32, #tpu.memory_space<hbm>>
    tpu.enqueue_dma source(%dma_start3A_75 : memref<512xi32, #tpu.memory_space<hbm>>) target(%dma_start3A_74 : memref<512xi32, #tpu.memory_space<vmem>>) target_semaphore(%arg9 : memref<!tpu.dma_semaphore, #tpu.memory_space<semaphore_mem>>)
    %add3A_76 = arith.constant 131072 : i32
    %add3A_77 = arith.addi %add3A_76, %mul3A_4 : i32
    %dma_start3A_78 = arith.constant 4096 : i32
    %dma_start3A_79 = tpu.memref_slice %arg7[%dma_start3A_78] : memref<5120xi32, #tpu.memory_space<vmem>> -> memref<512xi32, #tpu.memory_space<vmem>>
    %dma_start3A_80 = tpu.memref_slice %arg4[%add3A_77] : memref<163840xi32, #tpu.memory_space<hbm>> -> memref<512xi32, #tpu.memory_space<hbm>>
    %dma_start3A_81 = arith.constant 4096 : i32
    %dma_start3A_82 = tpu.memref_slice %arg7[%dma_start3A_81] : memref<5120xi32, #tpu.memory_space<vmem>> -> memref<512xi32, #tpu.memory_space<vmem>>
    %dma_start3A_83 = tpu.memref_slice %arg4[%add3A_77] : memref<163840xi32, #tpu.memory_space<hbm>> -> memref<512xi32, #tpu.memory_space<hbm>>
    tpu.enqueue_dma source(%dma_start3A_83 : memref<512xi32, #tpu.memory_space<hbm>>) target(%dma_start3A_82 : memref<512xi32, #tpu.memory_space<vmem>>) target_semaphore(%arg9 : memref<!tpu.dma_semaphore, #tpu.memory_space<semaphore_mem>>)
    %add3A_84 = arith.constant 147456 : i32
    %add3A_85 = arith.addi %add3A_84, %mul3A_4 : i32
    %dma_start3A_86 = arith.constant 4608 : i32
    %dma_start3A_87 = tpu.memref_slice %arg7[%dma_start3A_86] : memref<5120xi32, #tpu.memory_space<vmem>> -> memref<512xi32, #tpu.memory_space<vmem>>
    %dma_start3A_88 = tpu.memref_slice %arg4[%add3A_85] : memref<163840xi32, #tpu.memory_space<hbm>> -> memref<512xi32, #tpu.memory_space<hbm>>
    %dma_start3A_89 = arith.constant 4608 : i32
    %dma_start3A_90 = tpu.memref_slice %arg7[%dma_start3A_89] : memref<5120xi32, #tpu.memory_space<vmem>> -> memref<512xi32, #tpu.memory_space<vmem>>
    %dma_start3A_91 = tpu.memref_slice %arg4[%add3A_85] : memref<163840xi32, #tpu.memory_space<hbm>> -> memref<512xi32, #tpu.memory_space<hbm>>
    tpu.enqueue_dma source(%dma_start3A_91 : memref<512xi32, #tpu.memory_space<hbm>>) target(%dma_start3A_90 : memref<512xi32, #tpu.memory_space<vmem>>) target_semaphore(%arg9 : memref<!tpu.dma_semaphore, #tpu.memory_space<semaphore_mem>>)
    %dma_wait3A = arith.constant 0 : i32
    %dma_wait3A_92 = tpu.memref_slice %arg6[%dma_wait3A] : memref<32768xf32, #tpu.memory_space<vmem>> -> memref<16384xf32, #tpu.memory_space<vmem>>
    %dma_wait3A_93 = arith.constant 0 : i32
    %dma_wait3A_94 = tpu.memref_slice %arg6[%dma_wait3A_93] : memref<32768xf32, #tpu.memory_space<vmem>> -> memref<16384xf32, #tpu.memory_space<vmem>>
    tpu.wait_dma2 semaphore(%arg9 : memref<!tpu.dma_semaphore, #tpu.memory_space<semaphore_mem>>) src(%arg2 : memref<16384xf32, #tpu.memory_space<hbm>>) dst(%dma_wait3A_94 : memref<16384xf32, #tpu.memory_space<vmem>>)
    %dma_wait3A_95 = arith.constant 16384 : i32
    %dma_wait3A_96 = tpu.memref_slice %arg6[%dma_wait3A_95] : memref<32768xf32, #tpu.memory_space<vmem>> -> memref<16384xf32, #tpu.memory_space<vmem>>
    %dma_wait3A_97 = arith.constant 16384 : i32
    %dma_wait3A_98 = tpu.memref_slice %arg6[%dma_wait3A_97] : memref<32768xf32, #tpu.memory_space<vmem>> -> memref<16384xf32, #tpu.memory_space<vmem>>
    tpu.wait_dma2 semaphore(%arg9 : memref<!tpu.dma_semaphore, #tpu.memory_space<semaphore_mem>>) src(%arg3 : memref<16384xf32, #tpu.memory_space<hbm>>) dst(%dma_wait3A_98 : memref<16384xf32, #tpu.memory_space<vmem>>)
    %dma_wait3A_99 = arith.constant 0 : i32
    %dma_wait3A_100 = tpu.memref_slice %arg7[%dma_wait3A_99] : memref<5120xi32, #tpu.memory_space<vmem>> -> memref<512xi32, #tpu.memory_space<vmem>>
    %dma_wait3A_101 = tpu.memref_slice %arg4[%add3A_13] : memref<163840xi32, #tpu.memory_space<hbm>> -> memref<512xi32, #tpu.memory_space<hbm>>
    %dma_wait3A_102 = arith.constant 0 : i32
    %dma_wait3A_103 = tpu.memref_slice %arg7[%dma_wait3A_102] : memref<5120xi32, #tpu.memory_space<vmem>> -> memref<512xi32, #tpu.memory_space<vmem>>
    %dma_wait3A_104 = tpu.memref_slice %arg4[%add3A_13] : memref<163840xi32, #tpu.memory_space<hbm>> -> memref<512xi32, #tpu.memory_space<hbm>>
    tpu.wait_dma2 semaphore(%arg9 : memref<!tpu.dma_semaphore, #tpu.memory_space<semaphore_mem>>) src(%dma_wait3A_104 : memref<512xi32, #tpu.memory_space<hbm>>) dst(%dma_wait3A_103 : memref<512xi32, #tpu.memory_space<vmem>>)
    %dma_wait3A_105 = arith.constant 512 : i32
    %dma_wait3A_106 = tpu.memref_slice %arg7[%dma_wait3A_105] : memref<5120xi32, #tpu.memory_space<vmem>> -> memref<512xi32, #tpu.memory_space<vmem>>
    %dma_wait3A_107 = tpu.memref_slice %arg4[%add3A_21] : memref<163840xi32, #tpu.memory_space<hbm>> -> memref<512xi32, #tpu.memory_space<hbm>>
    %dma_wait3A_108 = arith.constant 512 : i32
    %dma_wait3A_109 = tpu.memref_slice %arg7[%dma_wait3A_108] : memref<5120xi32, #tpu.memory_space<vmem>> -> memref<512xi32, #tpu.memory_space<vmem>>
    %dma_wait3A_110 = tpu.memref_slice %arg4[%add3A_21] : memref<163840xi32, #tpu.memory_space<hbm>> -> memref<512xi32, #tpu.memory_space<hbm>>
    tpu.wait_dma2 semaphore(%arg9 : memref<!tpu.dma_semaphore, #tpu.memory_space<semaphore_mem>>) src(%dma_wait3A_110 : memref<512xi32, #tpu.memory_space<hbm>>) dst(%dma_wait3A_109 : memref<512xi32, #tpu.memory_space<vmem>>)
    %dma_wait3A_111 = arith.constant 1024 : i32
    %dma_wait3A_112 = tpu.memref_slice %arg7[%dma_wait3A_111] : memref<5120xi32, #tpu.memory_space<vmem>> -> memref<512xi32, #tpu.memory_space<vmem>>
    %dma_wait3A_113 = tpu.memref_slice %arg4[%add3A_29] : memref<163840xi32, #tpu.memory_space<hbm>> -> memref<512xi32, #tpu.memory_space<hbm>>
    %dma_wait3A_114 = arith.constant 1024 : i32
    %dma_wait3A_115 = tpu.memref_slice %arg7[%dma_wait3A_114] : memref<5120xi32, #tpu.memory_space<vmem>> -> memref<512xi32, #tpu.memory_space<vmem>>
    %dma_wait3A_116 = tpu.memref_slice %arg4[%add3A_29] : memref<163840xi32, #tpu.memory_space<hbm>> -> memref<512xi32, #tpu.memory_space<hbm>>
    tpu.wait_dma2 semaphore(%arg9 : memref<!tpu.dma_semaphore, #tpu.memory_space<semaphore_mem>>) src(%dma_wait3A_116 : memref<512xi32, #tpu.memory_space<hbm>>) dst(%dma_wait3A_115 : memref<512xi32, #tpu.memory_space<vmem>>)
    %dma_wait3A_117 = arith.constant 1536 : i32
    %dma_wait3A_118 = tpu.memref_slice %arg7[%dma_wait3A_117] : memref<5120xi32, #tpu.memory_space<vmem>> -> memref<512xi32, #tpu.memory_space<vmem>>
    %dma_wait3A_119 = tpu.memref_slice %arg4[%add3A_37] : memref<163840xi32, #tpu.memory_space<hbm>> -> memref<512xi32, #tpu.memory_space<hbm>>
    %dma_wait3A_120 = arith.constant 1536 : i32
    %dma_wait3A_121 = tpu.memref_slice %arg7[%dma_wait3A_120] : memref<5120xi32, #tpu.memory_space<vmem>> -> memref<512xi32, #tpu.memory_space<vmem>>
    %dma_wait3A_122 = tpu.memref_slice %arg4[%add3A_37] : memref<163840xi32, #tpu.memory_space<hbm>> -> memref<512xi32, #tpu.memory_space<hbm>>
    tpu.wait_dma2 semaphore(%arg9 : memref<!tpu.dma_semaphore, #tpu.memory_space<semaphore_mem>>) src(%dma_wait3A_122 : memref<512xi32, #tpu.memory_space<hbm>>) dst(%dma_wait3A_121 : memref<512xi32, #tpu.memory_space<vmem>>)
    %dma_wait3A_123 = arith.constant 2048 : i32
    %dma_wait3A_124 = tpu.memref_slice %arg7[%dma_wait3A_123] : memref<5120xi32, #tpu.memory_space<vmem>> -> memref<512xi32, #tpu.memory_space<vmem>>
    %dma_wait3A_125 = tpu.memref_slice %arg4[%add3A_45] : memref<163840xi32, #tpu.memory_space<hbm>> -> memref<512xi32, #tpu.memory_space<hbm>>
    %dma_wait3A_126 = arith.constant 2048 : i32
    %dma_wait3A_127 = tpu.memref_slice %arg7[%dma_wait3A_126] : memref<5120xi32, #tpu.memory_space<vmem>> -> memref<512xi32, #tpu.memory_space<vmem>>
    %dma_wait3A_128 = tpu.memref_slice %arg4[%add3A_45] : memref<163840xi32, #tpu.memory_space<hbm>> -> memref<512xi32, #tpu.memory_space<hbm>>
    tpu.wait_dma2 semaphore(%arg9 : memref<!tpu.dma_semaphore, #tpu.memory_space<semaphore_mem>>) src(%dma_wait3A_128 : memref<512xi32, #tpu.memory_space<hbm>>) dst(%dma_wait3A_127 : memref<512xi32, #tpu.memory_space<vmem>>)
    %dma_wait3A_129 = arith.constant 2560 : i32
    %dma_wait3A_130 = tpu.memref_slice %arg7[%dma_wait3A_129] : memref<5120xi32, #tpu.memory_space<vmem>> -> memref<512xi32, #tpu.memory_space<vmem>>
    %dma_wait3A_131 = tpu.memref_slice %arg4[%add3A_53] : memref<163840xi32, #tpu.memory_space<hbm>> -> memref<512xi32, #tpu.memory_space<hbm>>
    %dma_wait3A_132 = arith.constant 2560 : i32
    %dma_wait3A_133 = tpu.memref_slice %arg7[%dma_wait3A_132] : memref<5120xi32, #tpu.memory_space<vmem>> -> memref<512xi32, #tpu.memory_space<vmem>>
    %dma_wait3A_134 = tpu.memref_slice %arg4[%add3A_53] : memref<163840xi32, #tpu.memory_space<hbm>> -> memref<512xi32, #tpu.memory_space<hbm>>
    tpu.wait_dma2 semaphore(%arg9 : memref<!tpu.dma_semaphore, #tpu.memory_space<semaphore_mem>>) src(%dma_wait3A_134 : memref<512xi32, #tpu.memory_space<hbm>>) dst(%dma_wait3A_133 : memref<512xi32, #tpu.memory_space<vmem>>)
    %dma_wait3A_135 = arith.constant 3072 : i32
    %dma_wait3A_136 = tpu.memref_slice %arg7[%dma_wait3A_135] : memref<5120xi32, #tpu.memory_space<vmem>> -> memref<512xi32, #tpu.memory_space<vmem>>
    %dma_wait3A_137 = tpu.memref_slice %arg4[%add3A_61] : memref<163840xi32, #tpu.memory_space<hbm>> -> memref<512xi32, #tpu.memory_space<hbm>>
    %dma_wait3A_138 = arith.constant 3072 : i32
    %dma_wait3A_139 = tpu.memref_slice %arg7[%dma_wait3A_138] : memref<5120xi32, #tpu.memory_space<vmem>> -> memref<512xi32, #tpu.memory_space<vmem>>
    %dma_wait3A_140 = tpu.memref_slice %arg4[%add3A_61] : memref<163840xi32, #tpu.memory_space<hbm>> -> memref<512xi32, #tpu.memory_space<hbm>>
    tpu.wait_dma2 semaphore(%arg9 : memref<!tpu.dma_semaphore, #tpu.memory_space<semaphore_mem>>) src(%dma_wait3A_140 : memref<512xi32, #tpu.memory_space<hbm>>) dst(%dma_wait3A_139 : memref<512xi32, #tpu.memory_space<vmem>>)
    %dma_wait3A_141 = arith.constant 3584 : i32
    %dma_wait3A_142 = tpu.memref_slice %arg7[%dma_wait3A_141] : memref<5120xi32, #tpu.memory_space<vmem>> -> memref<512xi32, #tpu.memory_space<vmem>>
    %dma_wait3A_143 = tpu.memref_slice %arg4[%add3A_69] : memref<163840xi32, #tpu.memory_space<hbm>> -> memref<512xi32, #tpu.memory_space<hbm>>
    %dma_wait3A_144 = arith.constant 3584 : i32
    %dma_wait3A_145 = tpu.memref_slice %arg7[%dma_wait3A_144] : memref<5120xi32, #tpu.memory_space<vmem>> -> memref<512xi32, #tpu.memory_space<vmem>>
    %dma_wait3A_146 = tpu.memref_slice %arg4[%add3A_69] : memref<163840xi32, #tpu.memory_space<hbm>> -> memref<512xi32, #tpu.memory_space<hbm>>
    tpu.wait_dma2 semaphore(%arg9 : memref<!tpu.dma_semaphore, #tpu.memory_space<semaphore_mem>>) src(%dma_wait3A_146 : memref<512xi32, #tpu.memory_space<hbm>>) dst(%dma_wait3A_145 : memref<512xi32, #tpu.memory_space<vmem>>)
    %dma_wait3A_147 = arith.constant 4096 : i32
    %dma_wait3A_148 = tpu.memref_slice %arg7[%dma_wait3A_147] : memref<5120xi32, #tpu.memory_space<vmem>> -> memref<512xi32, #tpu.memory_space<vmem>>
    %dma_wait3A_149 = tpu.memref_slice %arg4[%add3A_77] : memref<163840xi32, #tpu.memory_space<hbm>> -> memref<512xi32, #tpu.memory_space<hbm>>
    %dma_wait3A_150 = arith.constant 4096 : i32
    %dma_wait3A_151 = tpu.memref_slice %arg7[%dma_wait3A_150] : memref<5120xi32, #tpu.memory_space<vmem>> -> memref<512xi32, #tpu.memory_space<vmem>>
    %dma_wait3A_152 = tpu.memref_slice %arg4[%add3A_77] : memref<163840xi32, #tpu.memory_space<hbm>> -> memref<512xi32, #tpu.memory_space<hbm>>
    tpu.wait_dma2 semaphore(%arg9 : memref<!tpu.dma_semaphore, #tpu.memory_space<semaphore_mem>>) src(%dma_wait3A_152 : memref<512xi32, #tpu.memory_space<hbm>>) dst(%dma_wait3A_151 : memref<512xi32, #tpu.memory_space<vmem>>)
    %dma_wait3A_153 = arith.constant 4608 : i32
    %dma_wait3A_154 = tpu.memref_slice %arg7[%dma_wait3A_153] : memref<5120xi32, #tpu.memory_space<vmem>> -> memref<512xi32, #tpu.memory_space<vmem>>
    %dma_wait3A_155 = tpu.memref_slice %arg4[%add3A_85] : memref<163840xi32, #tpu.memory_space<hbm>> -> memref<512xi32, #tpu.memory_space<hbm>>
    %dma_wait3A_156 = arith.constant 4608 : i32
    %dma_wait3A_157 = tpu.memref_slice %arg7[%dma_wait3A_156] : memref<5120xi32, #tpu.memory_space<vmem>> -> memref<512xi32, #tpu.memory_space<vmem>>
    %dma_wait3A_158 = tpu.memref_slice %arg4[%add3A_85] : memref<163840xi32, #tpu.memory_space<hbm>> -> memref<512xi32, #tpu.memory_space<hbm>>
    tpu.wait_dma2 semaphore(%arg9 : memref<!tpu.dma_semaphore, #tpu.memory_space<semaphore_mem>>) src(%dma_wait3A_158 : memref<512xi32, #tpu.memory_space<hbm>>) dst(%dma_wait3A_157 : memref<512xi32, #tpu.memory_space<vmem>>)
    %iota3A = tpu.iota {dimensions = array<i32: 0>} : vector<16xi32>
    %mul3A_159 = arith.constant 10 : i32
    %mul3A_160 = vector.broadcast %mul3A_159 : i32 to vector<16xi32>
    %mul3A_161 = arith.muli %iota3A, %mul3A_160 : vector<16xi32>
    %parallel_loop3A = arith.constant 0 : i32
    %parallel_loop3A_162 = arith.constant 32 : i32
    %parallel_loop3A_163 = arith.constant 1 : i32
    scf.for %parallel_loop3A_164 = %parallel_loop3A to %parallel_loop3A_162 step %parallel_loop3A_163  : i32 {
      %parallel_loop3A_165 = arith.constant 16 : i32
      %parallel_loop3A_166 = arith.muli %parallel_loop3A_164, %parallel_loop3A_165 : i32
      %parallel_loop3A_167 = arith.addi %mul3A_4, %parallel_loop3A_166 : i32
      %parallel_loop3A_168 = arith.index_cast %parallel_loop3A_167 : i32 to index
      %parallel_loop3A_169 = tpu.vector_load %arg6[%parallel_loop3A_168] {strides = array<i32>} : memref<32768xf32, #tpu.memory_space<vmem>>, vector<16xf32>,
      %parallel_loop3A_170 = arith.constant 16384 : i32
      %parallel_loop3A_171 = arith.addi %parallel_loop3A_170, %mul3A_4 : i32
      %parallel_loop3A_172 = arith.addi %parallel_loop3A_171, %parallel_loop3A_166 : i32
      %parallel_loop3A_173 = arith.index_cast %parallel_loop3A_172 : i32 to index
      %parallel_loop3A_174 = tpu.vector_load %arg6[%parallel_loop3A_173] {strides = array<i32>} : memref<32768xf32, #tpu.memory_space<vmem>>, vector<16xf32>,
      %parallel_loop3A_175 = arith.constant 10 : i32
      %parallel_loop3A_176 = arith.muli %parallel_loop3A_166, %parallel_loop3A_175 : i32
      %parallel_loop3A_177 = vector.broadcast %parallel_loop3A_176 : i32 to vector<16xi32>
      %parallel_loop3A_178 = arith.addi %mul3A_161, %parallel_loop3A_177 : vector<16xi32>
      %parallel_loop3A_179 = arith.constant 0 : i32
      %parallel_loop3A_180 = arith.addi %parallel_loop3A_179, %parallel_loop3A_166 : i32
      %parallel_loop3A_181 = arith.index_cast %parallel_loop3A_180 : i32 to index
      %parallel_loop3A_182 = tpu.vector_load %arg7[%parallel_loop3A_181] {strides = array<i32>} : memref<5120xi32, #tpu.memory_space<vmem>>, vector<16xi32>,
      %parallel_loop3A_183 = tpu.vector_load_idx %arg6[%parallel_loop3A_182] : memref<32768xf32, #tpu.memory_space<vmem>>[vector<16xi32>], vector<16xf32>,
      %parallel_loop3A_184 = arith.constant 16384 : i32
      %parallel_loop3A_185 = vector.broadcast %parallel_loop3A_184 : i32 to vector<16xi32>
      %parallel_loop3A_186 = arith.addi %parallel_loop3A_182, %parallel_loop3A_185 : vector<16xi32>
      %parallel_loop3A_187 = tpu.vector_load_idx %arg6[%parallel_loop3A_186] : memref<32768xf32, #tpu.memory_space<vmem>>[vector<16xi32>], vector<16xf32>,
      %parallel_loop3A_188 = arith.subf %parallel_loop3A_169, %parallel_loop3A_183 : vector<16xf32>
      %parallel_loop3A_189 = arith.subf %parallel_loop3A_174, %parallel_loop3A_187 : vector<16xf32>
      %parallel_loop3A_190 = arith.constant 0 : i32
      %parallel_loop3A_191 = vector.broadcast %parallel_loop3A_190 : i32 to vector<16xi32>
      %parallel_loop3A_192 = arith.addi %parallel_loop3A_178, %parallel_loop3A_191 : vector<16xi32>
      %parallel_loop3A_193 = arith.mulf %parallel_loop3A_188, %parallel_loop3A_188 : vector<16xf32>
      %parallel_loop3A_194 = arith.mulf %parallel_loop3A_189, %parallel_loop3A_189 : vector<16xf32>
      %parallel_loop3A_195 = arith.addf %parallel_loop3A_193, %parallel_loop3A_194 : vector<16xf32>
      tpu.vector_store_idx %arg8[%parallel_loop3A_192], %parallel_loop3A_195 : memref<5120xf32, #tpu.memory_space<vmem>>[vector<16xi32>], vector<16xf32>,
      %parallel_loop3A_196 = arith.constant 512 : i32
      %parallel_loop3A_197 = arith.addi %parallel_loop3A_196, %parallel_loop3A_166 : i32
      %parallel_loop3A_198 = arith.index_cast %parallel_loop3A_197 : i32 to index
      %parallel_loop3A_199 = tpu.vector_load %arg7[%parallel_loop3A_198] {strides = array<i32>} : memref<5120xi32, #tpu.memory_space<vmem>>, vector<16xi32>,
      %parallel_loop3A_200 = tpu.vector_load_idx %arg6[%parallel_loop3A_199] : memref<32768xf32, #tpu.memory_space<vmem>>[vector<16xi32>], vector<16xf32>,
      %parallel_loop3A_201 = arith.constant 16384 : i32
      %parallel_loop3A_202 = vector.broadcast %parallel_loop3A_201 : i32 to vector<16xi32>
      %parallel_loop3A_203 = arith.addi %parallel_loop3A_199, %parallel_loop3A_202 : vector<16xi32>
      %parallel_loop3A_204 = tpu.vector_load_idx %arg6[%parallel_loop3A_203] : memref<32768xf32, #tpu.memory_space<vmem>>[vector<16xi32>], vector<16xf32>,
      %parallel_loop3A_205 = arith.subf %parallel_loop3A_169, %parallel_loop3A_200 : vector<16xf32>
      %parallel_loop3A_206 = arith.subf %parallel_loop3A_174, %parallel_loop3A_204 : vector<16xf32>
      %parallel_loop3A_207 = arith.constant 1 : i32
      %parallel_loop3A_208 = vector.broadcast %parallel_loop3A_207 : i32 to vector<16xi32>
      %parallel_loop3A_209 = arith.addi %parallel_loop3A_178, %parallel_loop3A_208 : vector<16xi32>
      %parallel_loop3A_210 = arith.mulf %parallel_loop3A_205, %parallel_loop3A_205 : vector<16xf32>
      %parallel_loop3A_211 = arith.mulf %parallel_loop3A_206, %parallel_loop3A_206 : vector<16xf32>
      %parallel_loop3A_212 = arith.addf %parallel_loop3A_210, %parallel_loop3A_211 : vector<16xf32>
      tpu.vector_store_idx %arg8[%parallel_loop3A_209], %parallel_loop3A_212 : memref<5120xf32, #tpu.memory_space<vmem>>[vector<16xi32>], vector<16xf32>,
      %parallel_loop3A_213 = arith.constant 1024 : i32
      %parallel_loop3A_214 = arith.addi %parallel_loop3A_213, %parallel_loop3A_166 : i32
      %parallel_loop3A_215 = arith.index_cast %parallel_loop3A_214 : i32 to index
      %parallel_loop3A_216 = tpu.vector_load %arg7[%parallel_loop3A_215] {strides = array<i32>} : memref<5120xi32, #tpu.memory_space<vmem>>, vector<16xi32>,
      %parallel_loop3A_217 = tpu.vector_load_idx %arg6[%parallel_loop3A_216] : memref<32768xf32, #tpu.memory_space<vmem>>[vector<16xi32>], vector<16xf32>,
      %parallel_loop3A_218 = arith.constant 16384 : i32
      %parallel_loop3A_219 = vector.broadcast %parallel_loop3A_218 : i32 to vector<16xi32>
      %parallel_loop3A_220 = arith.addi %parallel_loop3A_216, %parallel_loop3A_219 : vector<16xi32>
      %parallel_loop3A_221 = tpu.vector_load_idx %arg6[%parallel_loop3A_220] : memref<32768xf32, #tpu.memory_space<vmem>>[vector<16xi32>], vector<16xf32>,
      %parallel_loop3A_222 = arith.subf %parallel_loop3A_169, %parallel_loop3A_217 : vector<16xf32>
      %parallel_loop3A_223 = arith.subf %parallel_loop3A_174, %parallel_loop3A_221 : vector<16xf32>
      %parallel_loop3A_224 = arith.constant 2 : i32
      %parallel_loop3A_225 = vector.broadcast %parallel_loop3A_224 : i32 to vector<16xi32>
      %parallel_loop3A_226 = arith.addi %parallel_loop3A_178, %parallel_loop3A_225 : vector<16xi32>
      %parallel_loop3A_227 = arith.mulf %parallel_loop3A_222, %parallel_loop3A_222 : vector<16xf32>
      %parallel_loop3A_228 = arith.mulf %parallel_loop3A_223, %parallel_loop3A_223 : vector<16xf32>
      %parallel_loop3A_229 = arith.addf %parallel_loop3A_227, %parallel_loop3A_228 : vector<16xf32>
      tpu.vector_store_idx %arg8[%parallel_loop3A_226], %parallel_loop3A_229 : memref<5120xf32, #tpu.memory_space<vmem>>[vector<16xi32>], vector<16xf32>,
      %parallel_loop3A_230 = arith.constant 1536 : i32
      %parallel_loop3A_231 = arith.addi %parallel_loop3A_230, %parallel_loop3A_166 : i32
      %parallel_loop3A_232 = arith.index_cast %parallel_loop3A_231 : i32 to index
      %parallel_loop3A_233 = tpu.vector_load %arg7[%parallel_loop3A_232] {strides = array<i32>} : memref<5120xi32, #tpu.memory_space<vmem>>, vector<16xi32>,
      %parallel_loop3A_234 = tpu.vector_load_idx %arg6[%parallel_loop3A_233] : memref<32768xf32, #tpu.memory_space<vmem>>[vector<16xi32>], vector<16xf32>,
      %parallel_loop3A_235 = arith.constant 16384 : i32
      %parallel_loop3A_236 = vector.broadcast %parallel_loop3A_235 : i32 to vector<16xi32>
      %parallel_loop3A_237 = arith.addi %parallel_loop3A_233, %parallel_loop3A_236 : vector<16xi32>
      %parallel_loop3A_238 = tpu.vector_load_idx %arg6[%parallel_loop3A_237] : memref<32768xf32, #tpu.memory_space<vmem>>[vector<16xi32>], vector<16xf32>,
      %parallel_loop3A_239 = arith.subf %parallel_loop3A_169, %parallel_loop3A_234 : vector<16xf32>
      %parallel_loop3A_240 = arith.subf %parallel_loop3A_174, %parallel_loop3A_238 : vector<16xf32>
      %parallel_loop3A_241 = arith.constant 3 : i32
      %parallel_loop3A_242 = vector.broadcast %parallel_loop3A_241 : i32 to vector<16xi32>
      %parallel_loop3A_243 = arith.addi %parallel_loop3A_178, %parallel_loop3A_242 : vector<16xi32>
      %parallel_loop3A_244 = arith.mulf %parallel_loop3A_239, %parallel_loop3A_239 : vector<16xf32>
      %parallel_loop3A_245 = arith.mulf %parallel_loop3A_240, %parallel_loop3A_240 : vector<16xf32>
      %parallel_loop3A_246 = arith.addf %parallel_loop3A_244, %parallel_loop3A_245 : vector<16xf32>
      tpu.vector_store_idx %arg8[%parallel_loop3A_243], %parallel_loop3A_246 : memref<5120xf32, #tpu.memory_space<vmem>>[vector<16xi32>], vector<16xf32>,
      %parallel_loop3A_247 = arith.constant 2048 : i32
      %parallel_loop3A_248 = arith.addi %parallel_loop3A_247, %parallel_loop3A_166 : i32
      %parallel_loop3A_249 = arith.index_cast %parallel_loop3A_248 : i32 to index
      %parallel_loop3A_250 = tpu.vector_load %arg7[%parallel_loop3A_249] {strides = array<i32>} : memref<5120xi32, #tpu.memory_space<vmem>>, vector<16xi32>,
      %parallel_loop3A_251 = tpu.vector_load_idx %arg6[%parallel_loop3A_250] : memref<32768xf32, #tpu.memory_space<vmem>>[vector<16xi32>], vector<16xf32>,
      %parallel_loop3A_252 = arith.constant 16384 : i32
      %parallel_loop3A_253 = vector.broadcast %parallel_loop3A_252 : i32 to vector<16xi32>
      %parallel_loop3A_254 = arith.addi %parallel_loop3A_250, %parallel_loop3A_253 : vector<16xi32>
      %parallel_loop3A_255 = tpu.vector_load_idx %arg6[%parallel_loop3A_254] : memref<32768xf32, #tpu.memory_space<vmem>>[vector<16xi32>], vector<16xf32>,
      %parallel_loop3A_256 = arith.subf %parallel_loop3A_169, %parallel_loop3A_251 : vector<16xf32>
      %parallel_loop3A_257 = arith.subf %parallel_loop3A_174, %parallel_loop3A_255 : vector<16xf32>
      %parallel_loop3A_258 = arith.constant 4 : i32
      %parallel_loop3A_259 = vector.broadcast %parallel_loop3A_258 : i32 to vector<16xi32>
      %parallel_loop3A_260 = arith.addi %parallel_loop3A_178, %parallel_loop3A_259 : vector<16xi32>
      %parallel_loop3A_261 = arith.mulf %parallel_loop3A_256, %parallel_loop3A_256 : vector<16xf32>
      %parallel_loop3A_262 = arith.mulf %parallel_loop3A_257, %parallel_loop3A_257 : vector<16xf32>
      %parallel_loop3A_263 = arith.addf %parallel_loop3A_261, %parallel_loop3A_262 : vector<16xf32>
      tpu.vector_store_idx %arg8[%parallel_loop3A_260], %parallel_loop3A_263 : memref<5120xf32, #tpu.memory_space<vmem>>[vector<16xi32>], vector<16xf32>,
      %parallel_loop3A_264 = arith.constant 2560 : i32
      %parallel_loop3A_265 = arith.addi %parallel_loop3A_264, %parallel_loop3A_166 : i32
      %parallel_loop3A_266 = arith.index_cast %parallel_loop3A_265 : i32 to index
      %parallel_loop3A_267 = tpu.vector_load %arg7[%parallel_loop3A_266] {strides = array<i32>} : memref<5120xi32, #tpu.memory_space<vmem>>, vector<16xi32>,
      %parallel_loop3A_268 = tpu.vector_load_idx %arg6[%parallel_loop3A_267] : memref<32768xf32, #tpu.memory_space<vmem>>[vector<16xi32>], vector<16xf32>,
      %parallel_loop3A_269 = arith.constant 16384 : i32
      %parallel_loop3A_270 = vector.broadcast %parallel_loop3A_269 : i32 to vector<16xi32>
      %parallel_loop3A_271 = arith.addi %parallel_loop3A_267, %parallel_loop3A_270 : vector<16xi32>
      %parallel_loop3A_272 = tpu.vector_load_idx %arg6[%parallel_loop3A_271] : memref<32768xf32, #tpu.memory_space<vmem>>[vector<16xi32>], vector<16xf32>,
      %parallel_loop3A_273 = arith.subf %parallel_loop3A_169, %parallel_loop3A_268 : vector<16xf32>
      %parallel_loop3A_274 = arith.subf %parallel_loop3A_174, %parallel_loop3A_272 : vector<16xf32>
      %parallel_loop3A_275 = arith.constant 5 : i32
      %parallel_loop3A_276 = vector.broadcast %parallel_loop3A_275 : i32 to vector<16xi32>
      %parallel_loop3A_277 = arith.addi %parallel_loop3A_178, %parallel_loop3A_276 : vector<16xi32>
      %parallel_loop3A_278 = arith.mulf %parallel_loop3A_273, %parallel_loop3A_273 : vector<16xf32>
      %parallel_loop3A_279 = arith.mulf %parallel_loop3A_274, %parallel_loop3A_274 : vector<16xf32>
      %parallel_loop3A_280 = arith.addf %parallel_loop3A_278, %parallel_loop3A_279 : vector<16xf32>
      tpu.vector_store_idx %arg8[%parallel_loop3A_277], %parallel_loop3A_280 : memref<5120xf32, #tpu.memory_space<vmem>>[vector<16xi32>], vector<16xf32>,
      %parallel_loop3A_281 = arith.constant 3072 : i32
      %parallel_loop3A_282 = arith.addi %parallel_loop3A_281, %parallel_loop3A_166 : i32
      %parallel_loop3A_283 = arith.index_cast %parallel_loop3A_282 : i32 to index
      %parallel_loop3A_284 = tpu.vector_load %arg7[%parallel_loop3A_283] {strides = array<i32>} : memref<5120xi32, #tpu.memory_space<vmem>>, vector<16xi32>,
      %parallel_loop3A_285 = tpu.vector_load_idx %arg6[%parallel_loop3A_284] : memref<32768xf32, #tpu.memory_space<vmem>>[vector<16xi32>], vector<16xf32>,
      %parallel_loop3A_286 = arith.constant 16384 : i32
      %parallel_loop3A_287 = vector.broadcast %parallel_loop3A_286 : i32 to vector<16xi32>
      %parallel_loop3A_288 = arith.addi %parallel_loop3A_284, %parallel_loop3A_287 : vector<16xi32>
      %parallel_loop3A_289 = tpu.vector_load_idx %arg6[%parallel_loop3A_288] : memref<32768xf32, #tpu.memory_space<vmem>>[vector<16xi32>], vector<16xf32>,
      %parallel_loop3A_290 = arith.subf %parallel_loop3A_169, %parallel_loop3A_285 : vector<16xf32>
      %parallel_loop3A_291 = arith.subf %parallel_loop3A_174, %parallel_loop3A_289 : vector<16xf32>
      %parallel_loop3A_292 = arith.constant 6 : i32
      %parallel_loop3A_293 = vector.broadcast %parallel_loop3A_292 : i32 to vector<16xi32>
      %parallel_loop3A_294 = arith.addi %parallel_loop3A_178, %parallel_loop3A_293 : vector<16xi32>
      %parallel_loop3A_295 = arith.mulf %parallel_loop3A_290, %parallel_loop3A_290 : vector<16xf32>
      %parallel_loop3A_296 = arith.mulf %parallel_loop3A_291, %parallel_loop3A_291 : vector<16xf32>
      %parallel_loop3A_297 = arith.addf %parallel_loop3A_295, %parallel_loop3A_296 : vector<16xf32>
      tpu.vector_store_idx %arg8[%parallel_loop3A_294], %parallel_loop3A_297 : memref<5120xf32, #tpu.memory_space<vmem>>[vector<16xi32>], vector<16xf32>,
      %parallel_loop3A_298 = arith.constant 3584 : i32
      %parallel_loop3A_299 = arith.addi %parallel_loop3A_298, %parallel_loop3A_166 : i32
      %parallel_loop3A_300 = arith.index_cast %parallel_loop3A_299 : i32 to index
      %parallel_loop3A_301 = tpu.vector_load %arg7[%parallel_loop3A_300] {strides = array<i32>} : memref<5120xi32, #tpu.memory_space<vmem>>, vector<16xi32>,
      %parallel_loop3A_302 = tpu.vector_load_idx %arg6[%parallel_loop3A_301] : memref<32768xf32, #tpu.memory_space<vmem>>[vector<16xi32>], vector<16xf32>,
      %parallel_loop3A_303 = arith.constant 16384 : i32
      %parallel_loop3A_304 = vector.broadcast %parallel_loop3A_303 : i32 to vector<16xi32>
      %parallel_loop3A_305 = arith.addi %parallel_loop3A_301, %parallel_loop3A_304 : vector<16xi32>
      %parallel_loop3A_306 = tpu.vector_load_idx %arg6[%parallel_loop3A_305] : memref<32768xf32, #tpu.memory_space<vmem>>[vector<16xi32>], vector<16xf32>,
      %parallel_loop3A_307 = arith.subf %parallel_loop3A_169, %parallel_loop3A_302 : vector<16xf32>
      %parallel_loop3A_308 = arith.subf %parallel_loop3A_174, %parallel_loop3A_306 : vector<16xf32>
      %parallel_loop3A_309 = arith.constant 7 : i32
      %parallel_loop3A_310 = vector.broadcast %parallel_loop3A_309 : i32 to vector<16xi32>
      %parallel_loop3A_311 = arith.addi %parallel_loop3A_178, %parallel_loop3A_310 : vector<16xi32>
      %parallel_loop3A_312 = arith.mulf %parallel_loop3A_307, %parallel_loop3A_307 : vector<16xf32>
      %parallel_loop3A_313 = arith.mulf %parallel_loop3A_308, %parallel_loop3A_308 : vector<16xf32>
      %parallel_loop3A_314 = arith.addf %parallel_loop3A_312, %parallel_loop3A_313 : vector<16xf32>
      tpu.vector_store_idx %arg8[%parallel_loop3A_311], %parallel_loop3A_314 : memref<5120xf32, #tpu.memory_space<vmem>>[vector<16xi32>], vector<16xf32>,
      %parallel_loop3A_315 = arith.constant 4096 : i32
      %parallel_loop3A_316 = arith.addi %parallel_loop3A_315, %parallel_loop3A_166 : i32
      %parallel_loop3A_317 = arith.index_cast %parallel_loop3A_316 : i32 to index
      %parallel_loop3A_318 = tpu.vector_load %arg7[%parallel_loop3A_317] {strides = array<i32>} : memref<5120xi32, #tpu.memory_space<vmem>>, vector<16xi32>,
      %parallel_loop3A_319 = tpu.vector_load_idx %arg6[%parallel_loop3A_318] : memref<32768xf32, #tpu.memory_space<vmem>>[vector<16xi32>], vector<16xf32>,
      %parallel_loop3A_320 = arith.constant 16384 : i32
      %parallel_loop3A_321 = vector.broadcast %parallel_loop3A_320 : i32 to vector<16xi32>
      %parallel_loop3A_322 = arith.addi %parallel_loop3A_318, %parallel_loop3A_321 : vector<16xi32>
      %parallel_loop3A_323 = tpu.vector_load_idx %arg6[%parallel_loop3A_322] : memref<32768xf32, #tpu.memory_space<vmem>>[vector<16xi32>], vector<16xf32>,
      %parallel_loop3A_324 = arith.subf %parallel_loop3A_169, %parallel_loop3A_319 : vector<16xf32>
      %parallel_loop3A_325 = arith.subf %parallel_loop3A_174, %parallel_loop3A_323 : vector<16xf32>
      %parallel_loop3A_326 = arith.constant 8 : i32
      %parallel_loop3A_327 = vector.broadcast %parallel_loop3A_326 : i32 to vector<16xi32>
      %parallel_loop3A_328 = arith.addi %parallel_loop3A_178, %parallel_loop3A_327 : vector<16xi32>
      %parallel_loop3A_329 = arith.mulf %parallel_loop3A_324, %parallel_loop3A_324 : vector<16xf32>
      %parallel_loop3A_330 = arith.mulf %parallel_loop3A_325, %parallel_loop3A_325 : vector<16xf32>
      %parallel_loop3A_331 = arith.addf %parallel_loop3A_329, %parallel_loop3A_330 : vector<16xf32>
      tpu.vector_store_idx %arg8[%parallel_loop3A_328], %parallel_loop3A_331 : memref<5120xf32, #tpu.memory_space<vmem>>[vector<16xi32>], vector<16xf32>,
      %parallel_loop3A_332 = arith.constant 4608 : i32
      %parallel_loop3A_333 = arith.addi %parallel_loop3A_332, %parallel_loop3A_166 : i32
      %parallel_loop3A_334 = arith.index_cast %parallel_loop3A_333 : i32 to index
      %parallel_loop3A_335 = tpu.vector_load %arg7[%parallel_loop3A_334] {strides = array<i32>} : memref<5120xi32, #tpu.memory_space<vmem>>, vector<16xi32>,
      %parallel_loop3A_336 = tpu.vector_load_idx %arg6[%parallel_loop3A_335] : memref<32768xf32, #tpu.memory_space<vmem>>[vector<16xi32>], vector<16xf32>,
      %parallel_loop3A_337 = arith.constant 16384 : i32
      %parallel_loop3A_338 = vector.broadcast %parallel_loop3A_337 : i32 to vector<16xi32>
      %parallel_loop3A_339 = arith.addi %parallel_loop3A_335, %parallel_loop3A_338 : vector<16xi32>
      %parallel_loop3A_340 = tpu.vector_load_idx %arg6[%parallel_loop3A_339] : memref<32768xf32, #tpu.memory_space<vmem>>[vector<16xi32>], vector<16xf32>,
      %parallel_loop3A_341 = arith.subf %parallel_loop3A_169, %parallel_loop3A_336 : vector<16xf32>
      %parallel_loop3A_342 = arith.subf %parallel_loop3A_174, %parallel_loop3A_340 : vector<16xf32>
      %parallel_loop3A_343 = arith.constant 9 : i32
      %parallel_loop3A_344 = vector.broadcast %parallel_loop3A_343 : i32 to vector<16xi32>
      %parallel_loop3A_345 = arith.addi %parallel_loop3A_178, %parallel_loop3A_344 : vector<16xi32>
      %parallel_loop3A_346 = arith.mulf %parallel_loop3A_341, %parallel_loop3A_341 : vector<16xf32>
      %parallel_loop3A_347 = arith.mulf %parallel_loop3A_342, %parallel_loop3A_342 : vector<16xf32>
      %parallel_loop3A_348 = arith.addf %parallel_loop3A_346, %parallel_loop3A_347 : vector<16xf32>
      tpu.vector_store_idx %arg8[%parallel_loop3A_345], %parallel_loop3A_348 : memref<5120xf32, #tpu.memory_space<vmem>>[vector<16xi32>], vector<16xf32>,
    } {sc.loop_unroll_factor = 2 : i64, sc.parallel_access}
    "tpu.region"() ({
      %run_scoped3A = tpu.sem_alloc : memref<!tpu.dma_semaphore, #tpu.memory_space<semaphore_mem>>
      %dma_start3A_164 = tpu.memref_slice %arg5[%mul3A_2] : memref<163840xf32, #tpu.memory_space<hbm>> -> memref<5120xf32, #tpu.memory_space<hbm>>
      %dma_start3A_165 = tpu.memref_slice %arg5[%mul3A_2] : memref<163840xf32, #tpu.memory_space<hbm>> -> memref<5120xf32, #tpu.memory_space<hbm>>
      tpu.enqueue_dma source(%arg8 : memref<5120xf32, #tpu.memory_space<vmem>>) target(%dma_start3A_165 : memref<5120xf32, #tpu.memory_space<hbm>>) target_semaphore(%run_scoped3A : memref<!tpu.dma_semaphore, #tpu.memory_space<semaphore_mem>>)
      %dma_wait3A_166 = tpu.memref_slice %arg5[%mul3A_2] : memref<163840xf32, #tpu.memory_space<hbm>> -> memref<5120xf32, #tpu.memory_space<hbm>>
      %dma_wait3A_167 = tpu.memref_slice %arg5[%mul3A_2] : memref<163840xf32, #tpu.memory_space<hbm>> -> memref<5120xf32, #tpu.memory_space<hbm>>
      tpu.wait_dma2 semaphore(%run_scoped3A : memref<!tpu.dma_semaphore, #tpu.memory_space<semaphore_mem>>) src(%arg8 : memref<5120xf32, #tpu.memory_space<vmem>>) dst(%dma_wait3A_167 : memref<5120xf32, #tpu.memory_space<hbm>>)
      tpu.yield
    }) : () -> ()
    return
  }
}

module attributes {stable_mosaic.version = 14 : i64} {
  func.func @_mlp_body(%arg0: i32, %arg1: memref<784x4096xf32, #tpu.memory_space<vmem>>, %arg2: memref<784x128xf32, #tpu.memory_space<vmem>>, %arg3: memref<1x128xf32, #tpu.memory_space<vmem>>, %arg4: memref<64x128xf32, #tpu.memory_space<vmem>>, %arg5: memref<1x64xf32, #tpu.memory_space<vmem>>, %arg6: memref<32x64xf32, #tpu.memory_space<vmem>>, %arg7: memref<1x32xf32, #tpu.memory_space<vmem>>, %arg8: memref<2x32xf32, #tpu.memory_space<vmem>>, %arg9: memref<2x1xf32, #tpu.memory_space<vmem>>, %arg10: memref<4096xf32, #tpu.memory_space<vmem>>, %arg11: memref<4096xf32, #tpu.memory_space<vmem>>) attributes {dimension_semantics = [#tpu.dimension_semantics<arbitrary>], iteration_bounds = array<i64: 4>, scalar_prefetch = 0 : i64, scratch_operands = 0 : i64, tpu.core_type = #tpu.core_type<tc>, window_params = [{transform_indices = @transform_0, window_bounds = array<i64: 784, 4096>}, {pipeline_mode = #tpu.pipeline_mode<synchronous>, transform_indices = @transform_1, window_bounds = array<i64: 784, 128>}, {pipeline_mode = #tpu.pipeline_mode<synchronous>, transform_indices = @transform_2, window_bounds = array<i64: 1, 128>}, {pipeline_mode = #tpu.pipeline_mode<synchronous>, transform_indices = @transform_3, window_bounds = array<i64: 64, 128>}, {pipeline_mode = #tpu.pipeline_mode<synchronous>, transform_indices = @transform_4, window_bounds = array<i64: 1, 64>}, {pipeline_mode = #tpu.pipeline_mode<synchronous>, transform_indices = @transform_5, window_bounds = array<i64: 32, 64>}, {pipeline_mode = #tpu.pipeline_mode<synchronous>, transform_indices = @transform_6, window_bounds = array<i64: 1, 32>}, {pipeline_mode = #tpu.pipeline_mode<synchronous>, transform_indices = @transform_7, window_bounds = array<i64: 2, 32>}, {pipeline_mode = #tpu.pipeline_mode<synchronous>, transform_indices = @transform_8, window_bounds = array<i64: 2, 1>}, {transform_indices = @transform_9, window_bounds = array<i64: 4096>}, {transform_indices = @transform_10, window_bounds = array<i64: 4096>}]} {
    %get3A = arith.constant 0 : index
    %get3A_0 = arith.constant 0 : index
    %get3A_1 = vector.load %arg1[%get3A, %get3A_0] : memref<784x4096xf32, #tpu.memory_space<vmem>>, vector<784x4096xf32>
    %get3A_2 = arith.constant 0 : index
    %get3A_3 = arith.constant 0 : index
    %get3A_4 = vector.load %arg2[%get3A_2, %get3A_3] : memref<784x128xf32, #tpu.memory_space<vmem>>, vector<784x128xf32>
    %dot_general3A = arith.constant dense<0.000000e+00> : vector<4096x128xf32>
    %dot_general3A_5 = tpu.matmul %get3A_1, %get3A_4, %dot_general3A {dimension_numbers = #tpu.dot_dimension_numbers<[0], [0], [1], [1], [0, 1, 1, 1], [], []>, transpose_lhs_hint = false} : vector<784x4096xf32>, vector<784x128xf32>, vector<4096x128xf32> -> vector<4096x128xf32>
    %get3A_6 = arith.constant 0 : index
    %get3A_7 = arith.constant 0 : index
    %get3A_8 = vector.load %arg3[%get3A_6, %get3A_7] : memref<1x128xf32, #tpu.memory_space<vmem>>, vector<1x128xf32>
    %add3A = vector.broadcast %get3A_8 : vector<1x128xf32> to vector<4096x128xf32>
    %add3A_9 = arith.addf %dot_general3A_5, %add3A : vector<4096x128xf32>
    %max3A = arith.constant 0.000000e+00 : f32
    %max3A_10 = vector.broadcast %max3A : f32 to vector<4096x128xf32>
    %max3A_11 = arith.maximumf %add3A_9, %max3A_10 : vector<4096x128xf32>
    %get3A_12 = arith.constant 0 : index
    %get3A_13 = arith.constant 0 : index
    %get3A_14 = vector.load %arg4[%get3A_12, %get3A_13] : memref<64x128xf32, #tpu.memory_space<vmem>>, vector<64x128xf32>
    %dot_general3A_15 = arith.constant dense<0.000000e+00> : vector<4096x64xf32>
    %dot_general3A_16 = tpu.matmul %max3A_11, %get3A_14, %dot_general3A_15 {dimension_numbers = #tpu.dot_dimension_numbers<[1], [1], [0], [0], [0, 0, 1, 0], [], []>, transpose_lhs_hint = false} : vector<4096x128xf32>, vector<64x128xf32>, vector<4096x64xf32> -> vector<4096x64xf32>
    %get3A_17 = arith.constant 0 : index
    %get3A_18 = arith.constant 0 : index
    %get3A_19 = vector.load %arg5[%get3A_17, %get3A_18] : memref<1x64xf32, #tpu.memory_space<vmem>>, vector<1x64xf32>
    %add3A_20 = vector.broadcast %get3A_19 : vector<1x64xf32> to vector<4096x64xf32>
    %add3A_21 = arith.addf %dot_general3A_16, %add3A_20 : vector<4096x64xf32>
    %max3A_22 = arith.constant 0.000000e+00 : f32
    %max3A_23 = vector.broadcast %max3A_22 : f32 to vector<4096x64xf32>
    %max3A_24 = arith.maximumf %add3A_21, %max3A_23 : vector<4096x64xf32>
    %get3A_25 = arith.constant 0 : index
    %get3A_26 = arith.constant 0 : index
    %get3A_27 = vector.load %arg6[%get3A_25, %get3A_26] : memref<32x64xf32, #tpu.memory_space<vmem>>, vector<32x64xf32>
    %dot_general3A_28 = arith.constant dense<0.000000e+00> : vector<4096x32xf32>
    %dot_general3A_29 = tpu.matmul %max3A_24, %get3A_27, %dot_general3A_28 {dimension_numbers = #tpu.dot_dimension_numbers<[1], [1], [0], [0], [0, 0, 1, 0], [], []>, transpose_lhs_hint = false} : vector<4096x64xf32>, vector<32x64xf32>, vector<4096x32xf32> -> vector<4096x32xf32>
    %get3A_30 = arith.constant 0 : index
    %get3A_31 = arith.constant 0 : index
    %get3A_32 = vector.load %arg7[%get3A_30, %get3A_31] : memref<1x32xf32, #tpu.memory_space<vmem>>, vector<1x32xf32>
    %add3A_33 = vector.broadcast %get3A_32 : vector<1x32xf32> to vector<4096x32xf32>
    %add3A_34 = arith.addf %dot_general3A_29, %add3A_33 : vector<4096x32xf32>
    %max3A_35 = arith.constant 0.000000e+00 : f32
    %max3A_36 = vector.broadcast %max3A_35 : f32 to vector<4096x32xf32>
    %max3A_37 = arith.maximumf %add3A_34, %max3A_36 : vector<4096x32xf32>
    %get3A_38 = arith.constant 0 : index
    %get3A_39 = arith.constant 0 : index
    %get3A_40 = vector.load %arg8[%get3A_38, %get3A_39] : memref<2x32xf32, #tpu.memory_space<vmem>>, vector<2x32xf32>
    %dot_general3A_41 = arith.constant dense<0.000000e+00> : vector<2x4096xf32>
    %dot_general3A_42 = tpu.matmul %get3A_40, %max3A_37, %dot_general3A_41 {dimension_numbers = #tpu.dot_dimension_numbers<[1], [1], [0], [0], [0, 0, 1, 0], [], []>, transpose_lhs_hint = false} : vector<2x32xf32>, vector<4096x32xf32>, vector<2x4096xf32> -> vector<2x4096xf32>
    %get3A_43 = arith.constant 0 : index
    %get3A_44 = arith.constant 0 : index
    %get3A_45 = vector.load %arg9[%get3A_43, %get3A_44] : memref<2x1xf32, #tpu.memory_space<vmem>>, vector<2x1xf32>
    %add3A_46 = vector.broadcast %get3A_45 : vector<2x1xf32> to vector<2x4096xf32>
    %add3A_47 = arith.addf %dot_general3A_42, %add3A_46 : vector<2x4096xf32>
    %slice3A = vector.extract_strided_slice %add3A_47 {offsets = [0, 0], sizes = [1, 4096], strides = [1, 1]} : vector<2x4096xf32> to vector<1x4096xf32>
    %squeeze3A = vector.shape_cast %slice3A : vector<1x4096xf32> to vector<4096xf32>
    %swap3A = arith.constant 0 : index
    %swap3A_48 = vector.load %arg10[%swap3A] : memref<4096xf32, #tpu.memory_space<vmem>>, vector<4096xf32>
    tpu.vector_store %arg10[%swap3A], %squeeze3A {strides = array<i32>} : memref<4096xf32, #tpu.memory_space<vmem>>, vector<4096xf32>,
    %slice3A_49 = vector.extract_strided_slice %add3A_47 {offsets = [1, 0], sizes = [1, 4096], strides = [1, 1]} : vector<2x4096xf32> to vector<1x4096xf32>
    %squeeze3A_50 = vector.shape_cast %slice3A_49 : vector<1x4096xf32> to vector<4096xf32>
    %swap3A_51 = arith.constant 0 : index
    %swap3A_52 = vector.load %arg11[%swap3A_51] : memref<4096xf32, #tpu.memory_space<vmem>>, vector<4096xf32>
    tpu.vector_store %arg11[%swap3A_51], %squeeze3A_50 {strides = array<i32>} : memref<4096xf32, #tpu.memory_space<vmem>>, vector<4096xf32>,
    return
  }
  func.func @transform_0(%arg0: i32) -> (i32, i32) {
    %c0_i32 = arith.constant 0 : i32
    %c0_i32_0 = arith.constant 0 : i32
    return %c0_i32, %arg0 : i32, i32
  }
  func.func @transform_1(%arg0: i32) -> (i32, i32) {
    %c0_i32 = arith.constant 0 : i32
    %c0_i32_0 = arith.constant 0 : i32
    %c0_i32_1 = arith.constant 0 : i32
    return %c0_i32, %c0_i32_0 : i32, i32
  }
  func.func @transform_2(%arg0: i32) -> (i32, i32) {
    %c0_i32 = arith.constant 0 : i32
    %c0_i32_0 = arith.constant 0 : i32
    %c0_i32_1 = arith.constant 0 : i32
    return %c0_i32, %c0_i32_0 : i32, i32
  }
  func.func @transform_3(%arg0: i32) -> (i32, i32) {
    %c0_i32 = arith.constant 0 : i32
    %c0_i32_0 = arith.constant 0 : i32
    %c0_i32_1 = arith.constant 0 : i32
    return %c0_i32, %c0_i32_0 : i32, i32
  }
  func.func @transform_4(%arg0: i32) -> (i32, i32) {
    %c0_i32 = arith.constant 0 : i32
    %c0_i32_0 = arith.constant 0 : i32
    %c0_i32_1 = arith.constant 0 : i32
    return %c0_i32, %c0_i32_0 : i32, i32
  }
  func.func @transform_5(%arg0: i32) -> (i32, i32) {
    %c0_i32 = arith.constant 0 : i32
    %c0_i32_0 = arith.constant 0 : i32
    %c0_i32_1 = arith.constant 0 : i32
    return %c0_i32, %c0_i32_0 : i32, i32
  }
  func.func @transform_6(%arg0: i32) -> (i32, i32) {
    %c0_i32 = arith.constant 0 : i32
    %c0_i32_0 = arith.constant 0 : i32
    %c0_i32_1 = arith.constant 0 : i32
    return %c0_i32, %c0_i32_0 : i32, i32
  }
  func.func @transform_7(%arg0: i32) -> (i32, i32) {
    %c0_i32 = arith.constant 0 : i32
    %c0_i32_0 = arith.constant 0 : i32
    %c0_i32_1 = arith.constant 0 : i32
    return %c0_i32, %c0_i32_0 : i32, i32
  }
  func.func @transform_8(%arg0: i32) -> (i32, i32) {
    %c0_i32 = arith.constant 0 : i32
    %c0_i32_0 = arith.constant 0 : i32
    %c0_i32_1 = arith.constant 0 : i32
    return %c0_i32, %c0_i32_0 : i32, i32
  }
  func.func @transform_9(%arg0: i32) -> i32 {
    %c0_i32 = arith.constant 0 : i32
    return %arg0 : i32
  }
  func.func @transform_10(%arg0: i32) -> i32 {
    %c0_i32 = arith.constant 0 : i32
    return %arg0 : i32
  }
}

</mosaic_0001>

<sc_bundles>
// kernel: kernel.4.cloned.1.call-start
scs
__scs_entry_jumppad:
0x0: {  	(pc) =	sbr.rel $0x88, $3  }
0x1: {  	(tag) =	ssettag $0x0;
	lr =	simm.s32 $0x1  }
0x2: {  	[smem:$0x3F97] =	sst lr;
	_ =	strace $0xD0000000  }
0x3: {  	_ = 	snop  }
0x4: {  	_ = 	snop  }
0x5: {  	_ = 	snop  }
0x6: {  	_ = 	snop  }
0x7: {  	_ = 	snop  }
__scs_overlays_trampoline_lowered:
0x8: {  	[smem:$0x3FA6] =	sst s0  }
0x9: {  	[smem:$0x3FA7] =	sst s1  }
0xa: {  	[smem:$0x3FA8] =	sst s2  }
0xb: {  	[smem:$0x3FA9] =	sst s3  }
0xc: {  	[smem:$0x3FAA] =	sst s4  }
0xd: {  	[smem:$0x3FAB] =	sst s5  }
0xe: {  	[smem:$0x3FAC] =	sst s6  }
0xf: {  	[smem:$0x3FAD] =	sst s7  }
0x10: {  	[smem:$0x3FAE] =	sst s8  }
0x11: {  	[smem:$0x3FAF] =	sst s9;
	s0 =	simm.s32 @!p0 $0x0  }
0x12: {  	s1 =	sld [smem:$0x3F95];
	s0 =	simm.s32 @p0 $0x1  }
0x13: {  	[smem:$0x3FB0] =	sst s0;
	s0 =	simm.s32 @!p1 $0x0  }
0x14: {  	s2 =	sld [smem:$0x3F94];
	s0 =	simm.s32 @p1 $0x1  }
0x15: {  	[smem:$0x3FB1] =	sst s0;
	s0 =	simm.s32 @!p2 $0x0  }
0x16: {  	s3 =	sld [smem:$0x3FDB];
	s0 =	simm.s32 @p2 $0x1  }
0x17: {  	s4 =	simm.s32 $0x1BF5;
	[smem:$0x3FB3] =	sst s0  }
0x18: {  	s0 =	sld [smem:$0x3F96];
	_ =	swait.ge [sflag:s4], $0x0  }
0x19: {  	s7 =	sld [smem:$0x3F97]  }
0x1a: {  	s8 =	sadd.s32 $0xFFFFE003, lr  }
0x1b: {  	s9 =	sadd.s32 $0xFFFFFEF7, lr;
	s5 =	simm.s32 $0xFFFFFFFF;
	p2 =	slt.u32 s8, $0xFFFFF086  }
0x1c: {  	p1 =	slt.u32 s9, $0xF7A;
	s5 =	simm.s32 @!p2 $0x0  }
0x1d: {  	s5 =	simm.s32 @p1 $0x1;
	p0 =	seq.s32 s7, s2  }
0x1e: {  	s7 =	smul.u32 @!p0 $0xF7A, s2;
	p2 =	seq.s32 @!p0 s5, $0x0  }
0x1f: {  	s9 =	smul.u32 $0xF7A, s1;
	s8 =	simm.s32 @!p0 $0x1BF5;
	p2 =	por !p2, p0  }
0x20: {  	[sflag:s8] =	ssyncset.s32 @!p0 $0xFFFFF086;
	s6 =	sadd.s32 @!p0 s3, s7;
	s7 =	simm.s32 @!p0 $0x108  }
0x21: {  	s3 =	sadd.s32 s3, s9;
	s6 =	sadd.s32 @!p0 $0x88, s6;
	s7 =	simm.s32 @p2 $0x1082  }
0x22: {  	[simem:s7], [sflag:s8] =	dma.local @!p0 [hbm:s6], $0xF7A  }
0x23: {  	s9 =	sor.u32 $0xD0000000, s2;
	s6 =	simm.s32 $0x108;
	_ =	swait.ge @!p0 [sflag:s8], $0x0  }
0x24: {  	s3 =	sadd.s32 $0x88, s3;
	s6 =	simm.s32 @!p1 $0x1082;
	[sflag:s4] =	ssyncset.s32 $0xFFFFF086  }
0x25: {  	[simem:s6], [sflag:s4] =	dma.local [hbm:s3], $0xF7A  }
0x26: {  	[smem:$0x3F97] =	sst s1;
	(tag) =	ssettag s2;
	_ =	strace s9  }
0x27: {  	s1 =	sld [smem:$0x3FA7]  }
0x28: {  	s2 =	sld [smem:$0x3FA8]  }
0x29: {  	s4 =	sld [smem:$0x3FAA]  }
0x2a: {  	p0 =	seq.s32 s5, $0x0;
	s5 =	sld [smem:$0x3FAB]  }
0x2b: {  	s6 =	sld [smem:$0x3FAC]  }
0x2c: {  	s7 =	sld [smem:$0x3FAD]  }
0x2d: {  	s3 =	simm.s32 $0x108;
	s8 =	sld [smem:$0x3FAE]  }
0x2e: {  	s3 =	simm.s32 @!p0 $0x1082;
	s9 =	sld [smem:$0x3FAF]  }
0x2f: {  	lr =	sadd.s32 s0, s3;
	s0 =	sld [smem:$0x3FA6]  }
0x30: {  	s3 =	sld [smem:$0x3FA9]  }
0x31: {  	[smem:$0x3FB2] =	sst s10  }
0x32: {  	s10 =	sld [smem:$0x3FB0];
	_ =	sdelay $0x3  }
0x33: {  	p0 =	seq.s32 s10, $0x1;
	s10 =	sld [smem:$0x3FB2];
	_ =	sdelay $0x3  }
0x34: {  	[smem:$0x3FB2] =	sst s10  }
0x35: {  	s10 =	sld [smem:$0x3FB1];
	_ =	sdelay $0x3  }
0x36: {  	p1 =	seq.s32 s10, $0x1;
	s10 =	sld [smem:$0x3FB2];
	_ =	sdelay $0x3  }
0x37: {  	[smem:$0x3FB2] =	sst s10  }
0x38: {  	s10 =	sld [smem:$0x3FB3]  }
0x39: {  	_ = 	snop;
	(pc) =	sbr.ind lr, $3  }
0x3a: {  	_ = 	snop  }
0x3b: {  	_ = 	snop  }
0x3c: {  	p2 =	seq.s32 s10, $0x1;
	s10 =	sld [smem:$0x3FB2]  }
0x3d: {  	_ =	shalt  }
0x3e: {  	_ =	shalt  }
0x3f: {  	_ =	shalt  }
0x40: {  	_ =	shalt  }
0x41: {  	_ =	shalt  }
0x42: {  	_ =	shalt  }
0x43: {  	_ =	shalt  }
0x44: {  	_ =	shalt  }
0x45: {  	_ =	shalt  }
0x46: {  	_ =	shalt  }
0x47: {  	_ =	shalt  }
0x48: {  	_ =	shalt  }
0x49: {  	_ =	shalt  }
0x4a: {  	_ =	shalt  }
0x4b: {  	_ =	shalt  }
0x4c: {  	_ =	shalt  }
0x4d: {  	_ =	shalt  }
0x4e: {  	_ =	shalt  }
0x4f: {  	_ =	shalt  }
0x50: {  	_ =	shalt  }
0x51: {  	_ =	shalt  }
0x52: {  	_ =	shalt  }
0x53: {  	_ =	shalt  }
0x54: {  	_ =	shalt  }
0x55: {  	_ =	shalt  }
0x56: {  	_ =	shalt  }
0x57: {  	_ =	shalt  }
0x58: {  	_ =	shalt  }
0x59: {  	_ =	shalt  }
0x5a: {  	_ =	shalt  }
0x5b: {  	_ =	shalt  }
0x5c: {  	_ =	shalt  }
0x5d: {  	_ =	shalt  }
0x5e: {  	_ =	shalt  }
0x5f: {  	_ =	shalt  }
0x60: {  	_ =	shalt  }
0x61: {  	_ =	shalt  }
0x62: {  	_ =	shalt  }
0x63: {  	_ =	shalt  }
0x64: {  	_ =	shalt  }
0x65: {  	_ =	shalt  }
0x66: {  	_ =	shalt  }
0x67: {  	_ =	shalt  }
0x68: {  	_ =	shalt  }
0x69: {  	_ =	shalt  }
0x6a: {  	_ =	shalt  }
0x6b: {  	_ =	shalt  }
0x6c: {  	_ =	shalt  }
0x6d: {  	_ =	shalt  }
0x6e: {  	_ =	shalt  }
0x6f: {  	_ =	shalt  }
0x70: {  	_ =	shalt  }
0x71: {  	_ =	shalt  }
0x72: {  	_ =	shalt  }
0x73: {  	_ =	shalt  }
0x74: {  	_ =	shalt  }
0x75: {  	_ =	shalt  }
0x76: {  	_ =	shalt  }
0x77: {  	_ =	shalt  }
0x78: {  	_ =	shalt  }
0x79: {  	_ =	shalt  }
0x7a: {  	_ =	shalt  }
0x7b: {  	_ =	shalt  }
0x7c: {  	_ =	shalt  }
0x7d: {  	_ =	shalt  }
0x7e: {  	_ =	shalt  }
0x7f: {  	_ =	shalt  }
0x80: {  	_ =	shalt  }
0x81: {  	_ =	shalt  }
0x82: {  	_ =	shalt  }
0x83: {  	_ =	shalt  }
0x84: {  	_ =	shalt  }
0x85: {  	_ =	shalt  }
0x86: {  	_ =	shalt  }
0x87: {  	_ =	shalt  }
.Lfunc_end0:
.L_simem_size_0:
called_computation_lowered:
.L_overlay_start_0:
0x88: {  	s2 =	sld [smem:$0x3FD9]  }
0x89: {  	s3 =	sld [smem:$0x3FFE];
	_ =	sdelay $0x1  }
0x8a: {  	s1 =	srdreg.scid  }
0x8b: {  	s0 =	sand.u32 $0x1, s1  }
0x8c: {  	s17 =	sshll.u32 s0, $0xA;
	s2 =	sadd.s32 s3, s2  }
0x8d: {  	s2 =	sadd.s32 s2, s17  }
0x8e: {  	[smem:$0x3FBE] =	sst s2  }
0x8f: {  	_ = 	snop  }
0x90: {  	s2 =	sld [smem:$0x3FD0];
	(tm) =	ssettm $0x1  }
0x91: {  	s18 =	sld [smem:$0x3FFB];
	_ =	sdelay $0x3  }
0x92: {  	_ =	strace s18  }
0x93: {  	s3 =	sld [smem:$0x3FFC];
	_ =	sdelay $0x3  }
0x94: {  	_ =	strace s3  }
0x95: {  	s3 =	sld [smem:$0x3FFD];
	_ =	sdelay $0x3  }
0x96: {  	_ =	strace s3  }
0x97: {  	_ =	strace $0x8FFFFFFF  }
0x98: {  	s19 =	sld [smem:$0x3FDB];
	_ =	sdelay $0x1  }
0x99: {  	s4 =	simm.s32 $_scs_section_size  }
0x9a: {  	s5 =	simm.s32 $_size__tile_overlayer_lowered;
	s6 =	simm.s32 $_tile_overlayer_lowered  }
0x9b: {  	s22 =	simm.s32 $0x1BFF;
	s21 =	sshll.u32 s6, $0x1;
	s3 =	sadd.s32 s4, s19  }
0x9c: {  	s7 =	simm.s32 $0x0;
	s20 =	sshll.u32 s5, $0x1;
	s5 =	sadd.s32 s21, s3  }
0x9d: {  	[timem:s7], [sflag:s22] =	dma.local [hbm:s5], s20  }
0x9e: {  	_ =	swait.ge [sflag:s22], s20  }
0x9f: {  	s4 =	ssub.s32 $0x0, s20;
	[sflag:s22] =	ssyncset.done $0x0  }
0xa0: {  	[sflag:s22] =	ssyncadd.s32 s4;
	_ =	sdelay $0x1  }
0xa1: {  	s23 =	simm.s32 $0x1B8B  }
0xa2: {  	_ =	swait.ge [sflag:s23], $0x1  }
0xa3: {  	[sflag:s23] =	ssyncset.done $0x0  }
0xa4: {  	s25 =	simm.s32 $0x1B8E;
	s24 =	sld [smem:$0x3FFE];
	[sflag:s23] =	ssyncadd.s32 $0xFFFFFFFF  }
0xa5: {  	s26 =	simm.s32 $execute0_lowered;
	[smem:$0x3FD2] =	sst s25  }
0xa6: {  	s5 =	sshll.u32 s26, $0x1;
	_ =	strace $0x80000046;
	[dreg:$0x1] =	wrdreg $0xFFFFFFFF  }
0xa7: {  	s28 =	simm.s32 $_size_execute0_lowered;
	s3 =	sadd.s32 s3, s5;
	[dreg:$0x0] =	wrdreg $0x0  }
0xa8: {  	s5 =	sshll.u32 s28, $0x1;
	[dreg:$0x2] =	wrdreg s3  }
0xa9: {  	[dreg:$0x3] =	wrdreg s5  }
0xaa: {  	[dreg:$0x4] =	wrdreg $0xC0  }
0xab: {  	_ =	task [dreg:s7], $0x5FFFF  }
0xac: {  	[dreg:$0x1] =	wrdreg $0xFFFFFFFF  }
0xad: {  	[dreg:$0x0] =	wrdreg $0x60  }
0xae: {  	[dreg:$0x2] =	wrdreg s24  }
0xaf: {  	[dreg:$0x3] =	wrdreg s2  }
0xb0: {  	[dreg:$0x4] =	wrdreg $0x9  }
0xb1: {  	_ =	task.clear_ibuf [dreg:s7], $0x5FFFF;
	_ =	strace $0x90000046  }
0xb2: {  	s29 =	simm.s32 $0x9;
	_ =	strace $0x80000048  }
0xb3: {  	_ =	swait.ge [sflag:s29], $0x1  }
0xb4: {  	[sflag:s29] =	ssyncadd.s32 $0xFFFFFFFF  }
0xb5: {  	_ =	strace $0x90000048  }
0xb6: {  	_ =	sfence  }
0xb7: {  	s30 =	sld [smem:$0x0];
	_ =	sdelay $0x2  }
0xb8: {  	s31 =	sshll.u32 s1, $0xD;
	s1 =	sshrl.u32 s1, $0x2  }
0xb9: {  	s3 =	sand.u32 $0x4000, s31;
	s1 =	sadd.s32 s1, s30  }
0xba: {  	s0 =	sor.u32 s3, s0;
	s1 =	sshll.u32 s1, $0x11  }
0xbb: {  	s0 =	sor.u32 s1, s0  }
0xbc: {  	s0 =	sadd.s32 $0x8F2B, s0  }
0xbd: {  	[sflag:s0] =	ssyncadd.remote.s32 $0x1  }
0xbe: {  	_ =	sfence.sel $0xFFFF  }
0xbf: {  	[dreg:$0x0] =	wrdreg $0xFFFFFFFF;
	(pc) =	sbr.abs _section_cstart, $3  }
0xc0: {  	[dreg:$0x1] =	wrdreg $0xFFFFFFFF  }
0xc1: {  	_ =	task.clear_ibuf [dreg:s7], $0x2FFFF;
	_ =	strace $0x9FFFFFFF  }
0xc2: {  	(tm) =	ssettm $0x7FFFFFFF  }
0xc3: {  	_ =	shalt  }
tec
execute0_lowered:
.L_overlay_start_1:
0x0: {  	(tag) =	ssettag $0x1  }
0x1: {  	s0 =	rddreg [dreg:$0x0]  }
0x2: {  	s1 =	rddreg [dreg:$0x1];
	s2 =	simm.s32 $0x0;
	s3 =	srdreg.scid  }
0x3: {  	s4 =	stileid.u32;
	[smem:$0x7FF] =	sst s2  }
0x4: {  	s3 =	sand.u32 $0x1, s3;
	s4 =	sshll.u32 s4, $0x1;
	s5 =	sadd.s32 $0x6800, s0  }
0x5: {  	s16 =	sadd.s32 $0x7000, s0;
	s0 =	sadd.s32 $0x1800, s0;
	s4 =	sor.u32 s3, s4  }
0x6: {  	_ =	strace $0x80000047;
	[dreg:$0x3] =	wrdreg s5;
	s8 =	sshll.u32 s4, $0x6  }
0x7: {  	v0 =	vlaneseq.u32;
	[dreg:$0x4] =	wrdreg s16;
	s17 =	sadd.s32 s0, s8  }
0x8: {  	v4 =	vmul.u32 $0xA, v0;
	s19 =	sadd.s32 $0x1000, s17;
	[dreg:$0x5] =	wrdreg s17  }
0x9: {  	s31 =	simm.s32 $0x1;
	s20 =	sadd.s32 $0x1800, s17;
	[dreg:$0x7] =	wrdreg s19  }
0xa: {  	s3 =	ssub.s32 $0x2, s3;
	v0 =	vadd.s32 $0x3, v4;
	[tilespmem:$0x1FFD0] =	vst v4;
	s21 =	sadd.s32 $0x2000, s17;
	[dreg:$0x8] =	wrdreg s20  }
0xb: {  	s5 =	sshll.u32 s4, $0x9;
	v1 =	vor.u32 $0x1, v4;
	[tilespmem:$0x1FF60] =	vst v0;
	s22 =	sadd.s32 $0x2800, s17;
	[dreg:$0x9] =	wrdreg s21  }
0xc: {  	s7 =	sshrl.u32 s3, $0x1;
	v2 =	vadd.s32 $0x2, v4;
	[tilespmem:$0x1FFE0] =	vst v1;
	s24 =	sadd.s32 $0x3000, s17;
	[dreg:$0xa] =	wrdreg s22  }
0xd: {  	s23 =	smul.u32 $0x280, s4;
	v0 =	vadd.s32 $0x4, v4;
	[tilespmem:$0x1FFF0] =	vst v2;
	s25 =	sadd.s32 $0x3800, s17;
	[dreg:$0xb] =	wrdreg s24  }
0xe: {  	s6 =	sor.u32 $0x4000, s5;
	s26 =	sadd.s32 $0x4000, s17;
	[tilespmem:$0x1FF70] =	vst v0;
	v0 =	vadd.s32 $0x5, v4;
	[dreg:$0xc] =	wrdreg s25  }
0xf: {  	s3 =	ssub.s32 s3, s7;
	s28 =	sadd.s32 $0x4800, s17;
	[dreg:$0xd] =	wrdreg s26;
	[tilespmem:$0x1FF80] =	vst v0;
	v0 =	vadd.s32 $0x6, v4  }
0x10: {  	s18 =	sshrl.u32 s6, $0x3;
	s29 =	smax.u32 s3, $0x1;
	[dreg:$0xe] =	wrdreg s28;
	[tilespmem:$0x1FF90] =	vst v0;
	v0 =	vadd.s32 $0x7, v4  }
0x11: {  	s30 =	simm.s32 $0x320;
	s0 =	sadd.s32 s0, s18;
	[dreg:$0x10] =	wrdreg s29;
	[tilespmem:$0x1FFA0] =	vst v0;
	v0 =	vadd.s32 $0x8, v4  }
0x12: {  	s19 =	simm.s32 $0x0;
	[dreg:$0x6] =	wrdreg s0;
	s0 =	sadd.s32 s1, s23;
	[tilespmem:$0x1FFB0] =	vst v0;
	v0 =	vadd.s32 $0x9, v4  }
0x13: {  	s1 =	simm.s32 $0x2;
	[dreg:$0xf] =	wrdreg s0;
	s0 =	simm.s32 $0x9400;
	[tilespmem:$0x1FFC0] =	vst v0  }
.LBB2_1:
0x14: {  	s3 =	rddreg [dreg:$0x3]  }
0x15: {  	[tilespmem:s2], [sflag:$0x1] =	stream.linear.gather [hbm4b:s3+s2], $0x4000, $0x38;
	[tilespmem:$0xA800] =	vst v63  }
0x16: {  	s16 =	rddreg [dreg:$0x4];
	s4 =	simm.s32 $0x4000  }
0x17: {  	[tilespmem:s4], [sflag:$0x1] =	stream.linear.gather [hbm4b:s16+s2], $0x4000, $0x38;
	[tilespmem:$0xA800] =	vst v63  }
0x18: {  	s17 =	rddreg [dreg:$0x5];
	s18 =	simm.s32 $0x8000  }
0x19: {  	[tilespmem:s18], [sflag:$0x1] =	stream.linear.gather [hbm4b:s17+s2], $0x200, $0x38;
	[tilespmem:$0xA800] =	vst v63  }
0x1a: {  	s20 =	rddreg [dreg:$0x6];
	s21 =	simm.s32 $0x8200  }
0x1b: {  	[tilespmem:s21], [sflag:$0x1] =	stream.linear.gather [hbm4b:s20+s2], $0x200, $0x38;
	[tilespmem:$0xA800] =	vst v63  }
0x1c: {  	s22 =	rddreg [dreg:$0x7];
	s23 =	simm.s32 $0x8400  }
0x1d: {  	[tilespmem:s23], [sflag:$0x1] =	stream.linear.gather [hbm4b:s22+s2], $0x200, $0x38;
	[tilespmem:$0xA800] =	vst v63  }
0x1e: {  	s24 =	rddreg [dreg:$0x8];
	s25 =	simm.s32 $0x8600  }
0x1f: {  	[tilespmem:s25], [sflag:$0x1] =	stream.linear.gather [hbm4b:s24+s2], $0x200, $0x38;
	[tilespmem:$0xA800] =	vst v63  }
0x20: {  	s26 =	rddreg [dreg:$0x9];
	s28 =	simm.s32 $0x8800  }
0x21: {  	[tilespmem:s28], [sflag:$0x1] =	stream.linear.gather [hbm4b:s26+s2], $0x200, $0x38;
	[tilespmem:$0xA800] =	vst v63  }
0x22: {  	s7 =	simm.s32 $0x8A00;
	s4 =	rddreg [dreg:$0xa]  }
0x23: {  	[tilespmem:s7], [sflag:$0x1] =	stream.linear.gather [hbm4b:s4+s2], $0x200, $0x38;
	[tilespmem:$0xA800] =	vst v63  }
0x24: {  	s8 =	rddreg [dreg:$0xb];
	s9 =	simm.s32 $0x8C00  }
0x25: {  	[tilespmem:s9], [sflag:$0x1] =	stream.linear.gather [hbm4b:s8+s2], $0x200, $0x38;
	[tilespmem:$0xA800] =	vst v63  }
0x26: {  	s10 =	rddreg [dreg:$0xc];
	s11 =	simm.s32 $0x8E00  }
0x27: {  	[tilespmem:s11], [sflag:$0x1] =	stream.linear.gather [hbm4b:s10+s2], $0x200, $0x38;
	[tilespmem:$0xA800] =	vst v63  }
0x28: {  	s12 =	rddreg [dreg:$0xd];
	s13 =	simm.s32 $0x9000  }
0x29: {  	[tilespmem:s13], [sflag:$0x1] =	stream.linear.gather [hbm4b:s12+s2], $0x200, $0x38;
	[tilespmem:$0xA800] =	vst v63  }
0x2a: {  	s14 =	rddreg [dreg:$0xe];
	s15 =	simm.s32 $0x9200  }
0x2b: {  	[tilespmem:s15], [sflag:$0x1] =	stream.linear.gather [hbm4b:s14+s2], $0x200, $0x38;
	[tilespmem:$0xA800] =	vst v63  }
0x2c: {  	_ =	swait.ge [sflag:s31], $0x4000  }
0x2d: {  	[sflag:s31] =	ssyncset.done $0x0  }
0x2e: {  	[sflag:s31] =	ssyncadd.s32 $0xFFFFC000  }
0x2f: {  	_ =	swait.ge [sflag:s31], $0x4000  }
0x30: {  	[sflag:s31] =	ssyncset.done $0x0  }
0x31: {  	[sflag:s31] =	ssyncadd.s32 $0xFFFFC000  }
0x32: {  	_ =	swait.ge [sflag:s31], $0x200  }
0x33: {  	[sflag:s31] =	ssyncset.done $0x0  }
0x34: {  	[sflag:s31] =	ssyncadd.s32 $0xFFFFFE00  }
0x35: {  	_ =	swait.ge [sflag:s31], $0x200  }
0x36: {  	[sflag:s31] =	ssyncset.done $0x0  }
0x37: {  	[sflag:s31] =	ssyncadd.s32 $0xFFFFFE00  }
0x38: {  	_ =	swait.ge [sflag:s31], $0x200  }
0x39: {  	[sflag:s31] =	ssyncset.done $0x0  }
0x3a: {  	[sflag:s31] =	ssyncadd.s32 $0xFFFFFE00  }
0x3b: {  	_ =	swait.ge [sflag:s31], $0x200  }
0x3c: {  	[sflag:s31] =	ssyncset.done $0x0  }
0x3d: {  	[sflag:s31] =	ssyncadd.s32 $0xFFFFFE00  }
0x3e: {  	_ =	swait.ge [sflag:s31], $0x200  }
0x3f: {  	[sflag:s31] =	ssyncset.done $0x0  }
0x40: {  	[sflag:s31] =	ssyncadd.s32 $0xFFFFFE00  }
0x41: {  	_ =	swait.ge [sflag:s31], $0x200  }
0x42: {  	[sflag:s31] =	ssyncset.done $0x0  }
0x43: {  	[sflag:s31] =	ssyncadd.s32 $0xFFFFFE00  }
0x44: {  	_ =	swait.ge [sflag:s31], $0x200  }
0x45: {  	[sflag:s31] =	ssyncset.done $0x0  }
0x46: {  	[sflag:s31] =	ssyncadd.s32 $0xFFFFFE00  }
0x47: {  	_ =	swait.ge [sflag:s31], $0x200  }
0x48: {  	[sflag:s31] =	ssyncset.done $0x0  }
0x49: {  	[sflag:s31] =	ssyncadd.s32 $0xFFFFFE00  }
0x4a: {  	_ =	swait.ge [sflag:s31], $0x200  }
0x4b: {  	[sflag:s31] =	ssyncset.done $0x0  }
0x4c: {  	[sflag:s31] =	ssyncadd.s32 $0xFFFFFE00  }
0x4d: {  	_ =	swait.ge [sflag:s31], $0x200  }
0x4e: {  	[sflag:s31] =	ssyncset.done $0x0  }
0x4f: {  	s16 =	simm.s32 $0x8010;
	[sflag:s31] =	ssyncadd.s32 $0xFFFFFE00  }
0x50: {  	v0 =	vld [tilespmem:s16+$0x0];
	_ =	sdelay $0x2  }
0x51: {  	s17 =	simm.s32 $0x10  }
0x52: {  	s8 =	sand.u32 $0x180, s17  }
0x53: {  	v5 =	vmov v1;
	s4 =	sand.u32 $0x70, s17;
	s9 =	sadd.s32 s8, s5;
	v1 =	vadd.s32 $0x4000, v0  }
0x54: {  	s9 =	sadd.s32 s4, s9;
	s10 =	sadd.s32 s8, s6  }
0x55: {  	s18 =	sadd.s32 s4, s10;
	v29 =	vld [tilespmem:s9+$0x0]  }
0x56: {  	v28 =	vld [tilespmem:s18+$0x0]  }
0x57: {  	v0 =	vld.idx.msk [tilespmem:v0+s2+$0x0], $0xffff  }
0x58: {  	v1 =	vld.idx.msk [tilespmem:v1+s2+$0x0], $0xffff;
	_ =	sdelay $0x4  }
0x59: {  	s28 =	simm.s32 $0xA0;
	v0 =	vsub.f32 v29, v0;
	v1 =	vsub.f32 v28, v1  }
0x5a: {  	v63 =	vmov v2;
	v2 =	vadd.s32 s28, v4  }
0x5b: {  	v0 =	vmul.f32 v0, v0;
	v1 =	vmul.f32 v1, v1;
	_ =	sdelay $0x1  }
0x5c: {  	v0 =	vadd.f32 v1, v0;
	_ =	sdelay $0x1  }
0x5d: {  	s21 =	sor.u32 s4, s8;
	[tilespmem:v2+s0+$0x0] =	vst.idx.msk $0xffff, v0  }
0x5e: {  	v0 =	vld [tilespmem:s21+$0x8200];
	_ =	sdelay $0x4  }
0x5f: {  	v2 =	vadd.s32 $0x4000, v0;
	_ =	sdelay $0x2  }
0x60: {  	v1 =	vld [tilespmem:s16+$0xFFFFFFF0]  }
0x61: {  	v0 =	vld.idx.msk [tilespmem:v0+s2+$0x0], $0xffff  }
0x62: {  	v2 =	vld.idx.msk [tilespmem:v2+s2+$0x0], $0xffff  }
0x63: {  	s20 =	simm.s32 $0x0  }
0x64: {  	s22 =	sand.u32 $0x180, s20  }
0x65: {  	s3 =	sand.u32 $0x60, s20;
	s23 =	sadd.s32 s22, s5;
	v3 =	vadd.s32 $0x4000, v1  }
0x66: {  	s24 =	sadd.s32 s22, s6;
	s8 =	sadd.s32 s3, s23  }
0x67: {  	s9 =	sadd.s32 s3, s24;
	v9 =	vld [tilespmem:s8+$0x0];
	v0 =	vsub.f32 v29, v0;
	v2 =	vsub.f32 v28, v2  }
0x68: {  	v10 =	vadd.s32 s28, v5;
	v8 =	vld [tilespmem:s9+$0x0]  }
0x69: {  	v1 =	vld.idx.msk [tilespmem:v1+s2+$0x0], $0xffff;
	v0 =	vmul.f32 v0, v0;
	v2 =	vmul.f32 v2, v2  }
0x6a: {  	v3 =	vld.idx.msk [tilespmem:v3+s2+$0x0], $0xffff  }
0x6b: {  	v0 =	vadd.f32 v2, v0;
	_ =	sdelay $0x1  }
0x6c: {  	[tilespmem:v10+s0+$0x0] =	vst.idx.msk $0xffff, v0  }
0x6d: {  	v0 =	vld [tilespmem:s21+$0x8400]  }
0x6e: {  	v1 =	vsub.f32 v9, v1;
	v2 =	vsub.f32 v8, v3;
	_ =	sdelay $0x1  }
0x6f: {  	v1 =	vmul.f32 v1, v1;
	v2 =	vmul.f32 v2, v2  }
0x70: {  	s8 =	simm.s32 $0x0  }
0x71: {  	v3 =	vadd.s32 s8, v4;
	v1 =	vadd.f32 v2, v1;
	v2 =	vadd.s32 $0x4000, v0;
	_ =	sdelay $0x3  }
0x72: {  	v0 =	vld.idx.msk [tilespmem:v0+s2+$0x0], $0xffff  }
0x73: {  	s9 =	sor.u32 s3, s22;
	[tilespmem:v3+s0+$0x0] =	vst.idx.msk $0xffff, v1;
	v2 =	vld.idx.msk [tilespmem:v2+s2+$0x0], $0xffff  }
0x74: {  	v1 =	vld [tilespmem:s9+$0x8200];
	_ =	sdelay $0x3  }
0x75: {  	s25 =	simm.s32 $0x8030;
	v0 =	vsub.f32 v29, v0;
	v2 =	vsub.f32 v28, v2  }
0x76: {  	v47 =	vadd.s32 s28, v63;
	v11 =	vld [tilespmem:s25+$0x0];
	v3 =	vadd.s32 $0x4000, v1  }
0x77: {  	v0 =	vmul.f32 v0, v0;
	v2 =	vmul.f32 v2, v2  }
0x78: {  	s26 =	simm.s32 $0x30  }
0x79: {  	s7 =	sand.u32 $0x180, s26;
	v0 =	vadd.f32 v2, v0  }
0x7a: {  	s11 =	sadd.s32 s7, s5;
	s4 =	sand.u32 $0x70, s26;
	v1 =	vld.idx.msk [tilespmem:v1+s2+$0x0], $0xffff  }
0x7b: {  	s11 =	sadd.s32 s4, s11;
	s12 =	sadd.s32 s7, s6;
	v3 =	vld.idx.msk [tilespmem:v3+s2+$0x0], $0xffff;
	[tilespmem:v47+s0+$0x0] =	vst.idx.msk $0xffff, v0;
	v0 =	vadd.s32 $0x4000, v11  }
0x7c: {  	s12 =	sadd.s32 s4, s12;
	v39 =	vld [tilespmem:s11+$0x0]  }
0x7d: {  	v40 =	vld [tilespmem:s12+$0x0]  }
0x7e: {  	v11 =	vld.idx.msk [tilespmem:v11+s2+$0x0], $0xffff  }
0x7f: {  	v2 =	vld [tilespmem:s21+$0x8600]  }
0x80: {  	v1 =	vsub.f32 v9, v1;
	v3 =	vsub.f32 v8, v3;
	v0 =	vld.idx.msk [tilespmem:v0+s2+$0x0], $0xffff  }
0x81: {  	v48 =	vadd.s32 s8, v5  }
0x82: {  	v1 =	vmul.f32 v1, v1;
	v3 =	vmul.f32 v3, v3;
	_ =	sdelay $0x1  }
0x83: {  	v1 =	vadd.f32 v3, v1;
	v3 =	vadd.s32 $0x4000, v2  }
0x84: {  	s26 =	simm.s32 $0x1E0;
	v49 =	vsub.f32 v39, v11;
	v0 =	vsub.f32 v40, v0  }
0x85: {  	v12 =	vadd.s32 s26, v4;
	[tilespmem:v48+s0+$0x0] =	vst.idx.msk $0xffff, v1  }
0x86: {  	v1 =	vld [tilespmem:s9+$0x8400];
	v10 =	vmul.f32 v49, v49;
	v0 =	vmul.f32 v0, v0  }
0x87: {  	v2 =	vld.idx.msk [tilespmem:v2+s2+$0x0], $0xffff  }
0x88: {  	v3 =	vld.idx.msk [tilespmem:v3+s2+$0x0], $0xffff;
	v0 =	vadd.f32 v0, v10  }
0x89: {  	v50 =	vld [tilespmem:s25+$0xFFFFFFF0]  }
0x8a: {  	s3 =	sor.u32 s4, s7;
	[tilespmem:v12+s0+$0x0] =	vst.idx.msk $0xffff, v0  }
0x8b: {  	s13 =	simm.s32 $0x20;
	v0 =	vld [tilespmem:s3+$0x8200]  }
0x8c: {  	s14 =	sand.u32 $0x180, s13;
	v51 =	vadd.s32 $0x4000, v1;
	v55 =	vld [tilespmem:$0x1FF60]  }
0x8d: {  	s15 =	sadd.s32 s14, s5;
	s4 =	sand.u32 $0x60, s13;
	v2 =	vsub.f32 v29, v2;
	v3 =	vsub.f32 v28, v3  }
0x8e: {  	s10 =	sadd.s32 s4, s15;
	v13 =	vadd.s32 $0x4000, v50  }
0x8f: {  	v26 =	vld [tilespmem:s10+$0x0];
	v2 =	vmul.f32 v2, v2;
	v3 =	vmul.f32 v3, v3  }
0x90: {  	v1 =	vld.idx.msk [tilespmem:v1+s2+$0x0], $0xffff  }
0x91: {  	v14 =	vld.idx.msk [tilespmem:v51+s2+$0x0], $0xffff;
	v2 =	vadd.f32 v3, v2;
	v12 =	vadd.s32 s28, v55;
	v3 =	vadd.s32 $0x4000, v0  }
0x92: {  	v15 =	vld.idx.msk [tilespmem:v50+s2+$0x0], $0xffff;
	s16 =	sadd.s32 s14, s6  }
0x93: {  	v13 =	vld.idx.msk [tilespmem:v13+s2+$0x0], $0xffff;
	s12 =	sadd.s32 s4, s16  }
0x94: {  	v20 =	vld [tilespmem:s12+$0x0]  }
0x95: {  	v0 =	vld.idx.msk [tilespmem:v0+s2+$0x0], $0xffff  }
0x96: {  	v1 =	vsub.f32 v9, v1;
	[tilespmem:v12+s0+$0x0] =	vst.idx.msk $0xffff, v2;
	v12 =	vsub.f32 v8, v14;
	v3 =	vld.idx.msk [tilespmem:v3+s2+$0x0], $0xffff  }
0x97: {  	v14 =	vadd.s32 s8, v63;
	v2 =	vld [tilespmem:s21+$0x8800]  }
0x98: {  	v1 =	vmul.f32 v1, v1;
	v12 =	vmul.f32 v12, v12;
	_ =	sdelay $0x1  }
0x99: {  	v15 =	vsub.f32 v26, v15;
	v1 =	vadd.f32 v12, v1  }
0x9a: {  	s10 =	simm.s32 $0x140;
	v13 =	vsub.f32 v20, v13;
	v0 =	vsub.f32 v39, v0  }
0x9b: {  	v12 =	vadd.s32 s10, v4;
	v16 =	vadd.s32 $0x4000, v2;
	[tilespmem:v14+s0+$0x0] =	vst.idx.msk $0xffff, v1;
	v1 =	vsub.f32 v40, v3  }
0x9c: {  	v15 =	vmul.f32 v15, v15;
	v13 =	vmul.f32 v13, v13;
	v14 =	vadd.s32 s26, v5  }
0x9d: {  	v0 =	vmul.f32 v0, v0;
	v1 =	vmul.f32 v1, v1  }
0x9e: {  	v13 =	vadd.f32 v13, v15;
	v3 =	vld [tilespmem:s9+$0x8600]  }
0x9f: {  	v2 =	vld.idx.msk [tilespmem:v2+s2+$0x0], $0xffff;
	v0 =	vadd.f32 v1, v0  }
0xa0: {  	s4 =	sor.u32 s4, s14;
	[tilespmem:v12+s0+$0x0] =	vst.idx.msk $0xffff, v13;
	v12 =	vld.idx.msk [tilespmem:v16+s2+$0x0], $0xffff  }
0xa1: {  	v13 =	vld [tilespmem:s4+$0x8200];
	[tilespmem:v14+s0+$0x0] =	vst.idx.msk $0xffff, v0  }
0xa2: {  	v41 =	vld [tilespmem:$0x1FF70];
	_ =	sdelay $0x1  }
0xa3: {  	v0 =	vadd.s32 $0x4000, v3;
	v1 =	vld [tilespmem:s3+$0x8400]  }
0xa4: {  	v2 =	vsub.f32 v29, v2;
	v12 =	vsub.f32 v28, v12  }
0xa5: {  	v14 =	vadd.s32 $0x4000, v13  }
0xa6: {  	v2 =	vmul.f32 v2, v2;
	v15 =	vadd.s32 s28, v41;
	v12 =	vmul.f32 v12, v12  }
0xa7: {  	v3 =	vld.idx.msk [tilespmem:v3+s2+$0x0], $0xffff  }
0xa8: {  	v0 =	vld.idx.msk [tilespmem:v0+s2+$0x0], $0xffff;
	v2 =	vadd.f32 v12, v2;
	v12 =	vadd.s32 $0x4000, v1  }
0xa9: {  	v13 =	vld.idx.msk [tilespmem:v13+s2+$0x0], $0xffff  }
0xaa: {  	v14 =	vld.idx.msk [tilespmem:v14+s2+$0x0], $0xffff  }
0xab: {  	v1 =	vld.idx.msk [tilespmem:v1+s2+$0x0], $0xffff;
	[tilespmem:v15+s0+$0x0] =	vst.idx.msk $0xffff, v2  }
0xac: {  	v2 =	vld [tilespmem:s21+$0x8A00]  }
0xad: {  	v3 =	vsub.f32 v9, v3;
	v0 =	vsub.f32 v8, v0;
	v12 =	vld.idx.msk [tilespmem:v12+s2+$0x0], $0xffff  }
0xae: {  	v15 =	vadd.s32 s8, v55  }
0xaf: {  	s18 =	simm.s32 $0x50;
	v3 =	vmul.f32 v3, v3;
	v13 =	vsub.f32 v26, v13;
	v0 =	vmul.f32 v0, v0  }
0xb0: {  	s13 =	sand.u32 $0x180, s18;
	v16 =	vadd.s32 s10, v5  }
0xb1: {  	s20 =	sand.u32 $0x70, s18;
	s22 =	sadd.s32 s13, s5;
	v14 =	vsub.f32 v20, v14;
	v0 =	vadd.f32 v0, v3;
	v3 =	vmul.f32 v13, v13  }
0xb2: {  	s12 =	sadd.s32 s20, s22;
	v1 =	vsub.f32 v39, v1;
	v13 =	vadd.s32 $0x4000, v2;
	v12 =	vsub.f32 v40, v12  }
0xb3: {  	s17 =	simm.s32 $0x8050;
	v38 =	vld [tilespmem:s12+$0x0];
	v14 =	vmul.f32 v14, v14;
	[tilespmem:v15+s0+$0x0] =	vst.idx.msk $0xffff, v0;
	v0 =	vadd.s32 s26, v63  }
0xb4: {  	v15 =	vld [tilespmem:s17+$0x0];
	v1 =	vmul.f32 v1, v1;
	v12 =	vmul.f32 v12, v12  }
0xb5: {  	v17 =	vld [tilespmem:s9+$0x8800];
	v3 =	vadd.f32 v14, v3  }
0xb6: {  	v2 =	vld.idx.msk [tilespmem:v2+s2+$0x0], $0xffff;
	v1 =	vadd.f32 v12, v1  }
0xb7: {  	[tilespmem:v16+s0+$0x0] =	vst.idx.msk $0xffff, v3;
	v3 =	vld.idx.msk [tilespmem:v13+s2+$0x0], $0xffff  }
0xb8: {  	v12 =	vld [tilespmem:s4+$0x8400];
	[tilespmem:v0+s0+$0x0] =	vst.idx.msk $0xffff, v1  }
0xb9: {  	v56 =	vmov v9;
	v9 =	vld [tilespmem:$0x1FF80]  }
0xba: {  	s14 =	sadd.s32 s13, s6;
	v13 =	vld [tilespmem:s17+$0xFFFFFFF0];
	v14 =	vadd.s32 $0x4000, v17  }
0xbb: {  	s23 =	sadd.s32 s20, s14;
	v0 =	vadd.s32 $0x4000, v15;
	v1 =	vld [tilespmem:s3+$0x8600]  }
0xbc: {  	v35 =	vld [tilespmem:s23+$0x0]  }
0xbd: {  	v15 =	vld.idx.msk [tilespmem:v15+s2+$0x0], $0xffff;
	v2 =	vsub.f32 v29, v2;
	v3 =	vsub.f32 v28, v3;
	v16 =	vadd.s32 $0x4000, v12  }
0xbe: {  	v17 =	vld.idx.msk [tilespmem:v17+s2+$0x0], $0xffff;
	v18 =	vadd.s32 s28, v9  }
0xbf: {  	v2 =	vmul.f32 v2, v2;
	v14 =	vld.idx.msk [tilespmem:v14+s2+$0x0], $0xffff;
	v3 =	vmul.f32 v3, v3  }
0xc0: {  	v19 =	vadd.s32 $0x4000, v13;
	v0 =	vld.idx.msk [tilespmem:v0+s2+$0x0], $0xffff  }
0xc1: {  	v2 =	vadd.f32 v3, v2;
	v3 =	vld.idx.msk [tilespmem:v12+s2+$0x0], $0xffff;
	v12 =	vadd.s32 $0x4000, v1  }
0xc2: {  	v16 =	vld.idx.msk [tilespmem:v16+s2+$0x0], $0xffff  }
0xc3: {  	v1 =	vld.idx.msk [tilespmem:v1+s2+$0x0], $0xffff;
	[tilespmem:v18+s0+$0x0] =	vst.idx.msk $0xffff, v2  }
0xc4: {  	s24 =	simm.s32 $0x40;
	v2 =	vld [tilespmem:s21+$0x8C00]  }
0xc5: {  	s25 =	sand.u32 $0x180, s24;
	v15 =	vsub.f32 v38, v15;
	v0 =	vsub.f32 v35, v0;
	v18 =	vld.idx.msk [tilespmem:v19+s2+$0x0], $0xffff  }
0xc6: {  	s7 =	sadd.s32 s25, s6;
	s16 =	sand.u32 $0x60, s24;
	v17 =	vsub.f32 v56, v17;
	v19 =	vadd.s32 s30, v4;
	v22 =	vld.idx.msk [tilespmem:v12+s2+$0x0], $0xffff  }
0xc7: {  	s12 =	sadd.s32 s16, s7;
	v24 =	vadd.s32 s8, v41;
	v15 =	vmul.f32 v15, v15;
	v0 =	vmul.f32 v0, v0  }
0xc8: {  	s15 =	sadd.s32 s25, s5;
	v21 =	vld [tilespmem:s12+$0x0];
	v14 =	vsub.f32 v8, v14;
	v17 =	vmul.f32 v17, v17;
	v3 =	vsub.f32 v26, v3  }
0xc9: {  	s15 =	sadd.s32 s16, s15;
	v23 =	vld.idx.msk [tilespmem:v13+s2+$0x0], $0xffff;
	v16 =	vsub.f32 v20, v16;
	v0 =	vadd.f32 v0, v15;
	v15 =	vadd.s32 $0x4000, v2  }
0xca: {  	v13 =	vld [tilespmem:s15+$0x0];
	v14 =	vmul.f32 v14, v14;
	v3 =	vmul.f32 v3, v3;
	v1 =	vsub.f32 v39, v1  }
0xcb: {  	s29 =	sor.u32 s20, s13;
	v16 =	vmul.f32 v16, v16;
	[tilespmem:v19+s0+$0x0] =	vst.idx.msk $0xffff, v0;
	v0 =	vadd.s32 s10, v63;
	v22 =	vsub.f32 v40, v22  }
0xcc: {  	v14 =	vadd.f32 v14, v17;
	v17 =	vadd.s32 s26, v55;
	v19 =	vld [tilespmem:s29+$0x8200]  }
0xcd: {  	v1 =	vmul.f32 v1, v1;
	v3 =	vadd.f32 v16, v3;
	v16 =	vmul.f32 v22, v22;
	v2 =	vld.idx.msk [tilespmem:v2+s2+$0x0], $0xffff  }
0xce: {  	v18 =	vsub.f32 v21, v18;
	v15 =	vld.idx.msk [tilespmem:v15+s2+$0x0], $0xffff  }
0xcf: {  	[tilespmem:v24+s0+$0x0] =	vst.idx.msk $0xffff, v14;
	v22 =	vsub.f32 v13, v23;
	v1 =	vadd.f32 v16, v1  }
0xd0: {  	s12 =	simm.s32 $0x280;
	v18 =	vmul.f32 v18, v18;
	[tilespmem:v0+s0+$0x0] =	vst.idx.msk $0xffff, v3  }
0xd1: {  	v0 =	vadd.s32 s12, v4;
	v16 =	vmul.f32 v22, v22;
	v3 =	vadd.s32 $0x4000, v19;
	v14 =	vld [tilespmem:s4+$0x8600];
	[tilespmem:v17+s0+$0x0] =	vst.idx.msk $0xffff, v1  }
0xd2: {  	v10 =	vld [tilespmem:$0x1FF90];
	v2 =	vsub.f32 v29, v2  }
0xd3: {  	v1 =	vsub.f32 v28, v15;
	v15 =	vadd.f32 v18, v16;
	v16 =	vld [tilespmem:s3+$0x8800];
	_ =	sdelay $0x1  }
0xd4: {  	v2 =	vmul.f32 v2, v2  }
0xd5: {  	v1 =	vmul.f32 v1, v1;
	[tilespmem:v0+s0+$0x0] =	vst.idx.msk $0xffff, v15;
	v0 =	vld.idx.msk [tilespmem:v3+s2+$0x0], $0xffff;
	v3 =	vadd.s32 $0x4000, v14  }
0xd6: {  	v18 =	vld.idx.msk [tilespmem:v19+s2+$0x0], $0xffff;
	v17 =	vadd.s32 s28, v10  }
0xd7: {  	s20 =	sor.u32 s16, s25;
	v22 =	vld [tilespmem:s9+$0x8A00];
	v1 =	vadd.f32 v1, v2;
	v2 =	vadd.s32 $0x4000, v16  }
0xd8: {  	v15 =	vld [tilespmem:s20+$0x8200]  }
0xd9: {  	v14 =	vld.idx.msk [tilespmem:v14+s2+$0x0], $0xffff  }
0xda: {  	v3 =	vld.idx.msk [tilespmem:v3+s2+$0x0], $0xffff  }
0xdb: {  	[tilespmem:v17+s0+$0x0] =	vst.idx.msk $0xffff, v1;
	v17 =	vsub.f32 v38, v18;
	v0 =	vsub.f32 v35, v0;
	v16 =	vld.idx.msk [tilespmem:v16+s2+$0x0], $0xffff  }
0xdc: {  	v23 =	vadd.s32 s30, v5;
	v2 =	vld.idx.msk [tilespmem:v2+s2+$0x0], $0xffff  }
0xdd: {  	v1 =	vld [tilespmem:s21+$0x8E00];
	v17 =	vmul.f32 v17, v17;
	v0 =	vmul.f32 v0, v0;
	_ =	sdelay $0x1  }
0xde: {  	v24 =	vadd.s32 s26, v41;
	v18 =	vadd.s32 $0x4000, v15;
	v0 =	vadd.f32 v0, v17  }
0xdf: {  	v19 =	vadd.s32 $0x4000, v22;
	v22 =	vld.idx.msk [tilespmem:v22+s2+$0x0], $0xffff;
	v14 =	vsub.f32 v26, v14;
	v3 =	vsub.f32 v20, v3  }
0xe0: {  	[tilespmem:v23+s0+$0x0] =	vst.idx.msk $0xffff, v0;
	v0 =	vadd.s32 s10, v55;
	v16 =	vsub.f32 v39, v16;
	v2 =	vsub.f32 v40, v2  }
0xe1: {  	v14 =	vmul.f32 v14, v14;
	v15 =	vld.idx.msk [tilespmem:v15+s2+$0x0], $0xffff;
	v17 =	vadd.s32 $0x4000, v1;
	v3 =	vmul.f32 v3, v3  }
0xe2: {  	v23 =	vld [tilespmem:s29+$0x8400];
	v16 =	vmul.f32 v16, v16;
	v2 =	vmul.f32 v2, v2  }
0xe3: {  	v18 =	vld.idx.msk [tilespmem:v18+s2+$0x0], $0xffff;
	v3 =	vadd.f32 v3, v14  }
0xe4: {  	v19 =	vld.idx.msk [tilespmem:v19+s2+$0x0], $0xffff;
	v2 =	vadd.f32 v2, v16  }
0xe5: {  	v1 =	vld.idx.msk [tilespmem:v1+s2+$0x0], $0xffff;
	[tilespmem:v0+s0+$0x0] =	vst.idx.msk $0xffff, v3  }
0xe6: {  	v14 =	vld.idx.msk [tilespmem:v17+s2+$0x0], $0xffff;
	[tilespmem:v24+s0+$0x0] =	vst.idx.msk $0xffff, v2  }
0xe7: {  	v15 =	vsub.f32 v13, v15;
	v3 =	vadd.s32 $0x4000, v23;
	v11 =	vld [tilespmem:$0x1FFA0]  }
0xe8: {  	v0 =	vsub.f32 v21, v18;
	v18 =	vsub.f32 v56, v22  }
0xe9: {  	v17 =	vsub.f32 v8, v19;
	v15 =	vmul.f32 v15, v15;
	v19 =	vld [tilespmem:s4+$0x8800]  }
0xea: {  	v0 =	vmul.f32 v0, v0;
	v2 =	vmul.f32 v18, v18;
	v18 =	vld [tilespmem:s3+$0x8A00]  }
0xeb: {  	v22 =	vadd.s32 s8, v9;
	v1 =	vsub.f32 v29, v1;
	v23 =	vld.idx.msk [tilespmem:v23+s2+$0x0], $0xffff;
	v14 =	vsub.f32 v28, v14  }
0xec: {  	v17 =	vmul.f32 v17, v17;
	v0 =	vadd.f32 v0, v15;
	v3 =	vld.idx.msk [tilespmem:v3+s2+$0x0], $0xffff;
	v15 =	vadd.s32 s28, v11  }
0xed: {  	v16 =	vadd.s32 s12, v5;
	v1 =	vmul.f32 v1, v1;
	v14 =	vmul.f32 v14, v14  }
0xee: {  	v2 =	vadd.f32 v17, v2  }
0xef: {  	v1 =	vadd.f32 v14, v1  }
0xf0: {  	s17 =	simm.s32 $0x8070;
	[tilespmem:v22+s0+$0x0] =	vst.idx.msk $0xffff, v2  }
0xf1: {  	v22 =	vld [tilespmem:s17+$0x0];
	v14 =	vadd.s32 $0x4000, v18;
	v3 =	vsub.f32 v35, v3;
	[tilespmem:v15+s0+$0x0] =	vst.idx.msk $0xffff, v1;
	v15 =	vsub.f32 v38, v23  }
0xf2: {  	[tilespmem:v16+s0+$0x0] =	vst.idx.msk $0xffff, v0;
	v16 =	vadd.s32 $0x4000, v19;
	v17 =	vld.idx.msk [tilespmem:v19+s2+$0x0], $0xffff;
	v19 =	vadd.s32 s30, v63  }
0xf3: {  	s18 =	simm.s32 $0x70;
	v3 =	vmul.f32 v3, v3;
	v15 =	vmul.f32 v15, v15  }
0xf4: {  	s14 =	sand.u32 $0x180, s18;
	v0 =	vld [tilespmem:s20+$0x8400]  }
0xf5: {  	s13 =	sand.u32 $0x70, s18;
	s22 =	sadd.s32 s14, s5;
	v18 =	vld.idx.msk [tilespmem:v18+s2+$0x0], $0xffff;
	v3 =	vadd.f32 v3, v15  }
0xf6: {  	s11 =	sadd.s32 s13, s22;
	v14 =	vld.idx.msk [tilespmem:v14+s2+$0x0], $0xffff  }
0xf7: {  	s23 =	sadd.s32 s14, s6;
	v7 =	vld [tilespmem:s11+$0x0];
	[tilespmem:v19+s0+$0x0] =	vst.idx.msk $0xffff, v3;
	v3 =	vadd.s32 $0x4000, v22  }
0xf8: {  	s24 =	sadd.s32 s13, s23;
	v1 =	vld [tilespmem:s21+$0x9000]  }
0xf9: {  	v27 =	vmov v8;
	v8 =	vld [tilespmem:s24+$0x0]  }
0xfa: {  	v22 =	vld.idx.msk [tilespmem:v22+s2+$0x0], $0xffff  }
0xfb: {  	v18 =	vsub.f32 v39, v18;
	v14 =	vsub.f32 v40, v14;
	v19 =	vld [tilespmem:s29+$0x8600]  }
0xfc: {  	v25 =	vadd.s32 s26, v9;
	v3 =	vld.idx.msk [tilespmem:v3+s2+$0x0], $0xffff  }
0xfd: {  	v15 =	vld.idx.msk [tilespmem:v0+s2+$0x0], $0xffff;
	v0 =	vadd.s32 $0x4000, v0;
	v18 =	vmul.f32 v18, v18;
	v14 =	vmul.f32 v14, v14  }
0xfe: {  	v16 =	vld.idx.msk [tilespmem:v16+s2+$0x0], $0xffff;
	v24 =	vadd.s32 $0x4000, v1  }
0xff: {  	v23 =	vld [tilespmem:s17+$0xFFFFFFF0];
	v14 =	vadd.f32 v14, v18  }
0x100: {  	v1 =	vld.idx.msk [tilespmem:v1+s2+$0x0], $0xffff  }
0x101: {  	s11 =	simm.s32 $0x460;
	v2 =	vld [tilespmem:s9+$0x8C00];
	[tilespmem:v25+s0+$0x0] =	vst.idx.msk $0xffff, v14;
	v14 =	vsub.f32 v7, v22;
	v18 =	vadd.s32 $0x4000, v19;
	v3 =	vsub.f32 v8, v3  }
0x102: {  	v0 =	vld.idx.msk [tilespmem:v0+s2+$0x0], $0xffff;
	v22 =	vadd.s32 s11, v4  }
0x103: {  	v24 =	vld.idx.msk [tilespmem:v24+s2+$0x0], $0xffff;
	v14 =	vmul.f32 v14, v14;
	v3 =	vmul.f32 v3, v3  }
0x104: {  	v30 =	vadd.s32 $0x4000, v23;
	v25 =	vld [tilespmem:s3+$0x8C00]  }
0x105: {  	v19 =	vld.idx.msk [tilespmem:v19+s2+$0x0], $0xffff;
	v3 =	vadd.f32 v3, v14  }
0x106: {  	s25 =	simm.s32 $0x60;
	v31 =	vadd.s32 s12, v63;
	v17 =	vsub.f32 v26, v17;
	v18 =	vld.idx.msk [tilespmem:v18+s2+$0x0], $0xffff  }
0x107: {  	s7 =	sand.u32 $0x180, s25;
	v37 =	vadd.s32 s10, v41;
	v36 =	vadd.s32 $0x4000, v2;
	v16 =	vsub.f32 v20, v16;
	v23 =	vld.idx.msk [tilespmem:v23+s2+$0x0], $0xffff;
	[tilespmem:v22+s0+$0x0] =	vst.idx.msk $0xffff, v3  }
0x108: {  	s16 =	sand.u32 $0x60, s25;
	s18 =	sadd.s32 s7, s6;
	v17 =	vmul.f32 v17, v17;
	v15 =	vsub.f32 v13, v15;
	v0 =	vsub.f32 v21, v0;
	v12 =	vld [tilespmem:$0x1FFB0]  }
0x109: {  	s18 =	sadd.s32 s16, s18;
	s17 =	sadd.s32 s7, s5;
	v16 =	vmul.f32 v16, v16;
	v30 =	vld.idx.msk [tilespmem:v30+s2+$0x0], $0xffff;
	v1 =	vsub.f32 v29, v1;
	v33 =	vadd.s32 $0x4000, v25  }
0x10a: {  	s17 =	sadd.s32 s16, s17;
	v32 =	vmul.f32 v15, v15;
	v15 =	vld [tilespmem:s18+$0x0];
	v24 =	vsub.f32 v28, v24;
	v0 =	vmul.f32 v0, v0  }
0x10b: {  	s13 =	sor.u32 s13, s14;
	v1 =	vmul.f32 v1, v1;
	v14 =	vld [tilespmem:s17+$0x0];
	v3 =	vsub.f32 v38, v19;
	v18 =	vsub.f32 v35, v18  }
0x10c: {  	v0 =	vadd.f32 v0, v32;
	v19 =	vmul.f32 v24, v24;
	v24 =	vadd.s32 s30, v55;
	v22 =	vld [tilespmem:s13+$0x8200]  }
0x10d: {  	v25 =	vld.idx.msk [tilespmem:v25+s2+$0x0], $0xffff;
	v3 =	vmul.f32 v3, v3;
	v18 =	vmul.f32 v18, v18;
	v57 =	vadd.s32 s28, v12  }
0x10e: {  	v16 =	vadd.f32 v16, v17;
	[tilespmem:v31+s0+$0x0] =	vst.idx.msk $0xffff, v0;
	v0 =	vld.idx.msk [tilespmem:v33+s2+$0x0], $0xffff  }
0x10f: {  	v1 =	vadd.f32 v19, v1;
	v19 =	vld [tilespmem:s20+$0x8600];
	v3 =	vadd.f32 v18, v3  }
0x110: {  	s14 =	simm.s32 $0x3C0;
	v2 =	vld.idx.msk [tilespmem:v2+s2+$0x0], $0xffff;
	v30 =	vsub.f32 v15, v30;
	[tilespmem:v37+s0+$0x0] =	vst.idx.msk $0xffff, v16;
	v23 =	vsub.f32 v14, v23  }
0x111: {  	v17 =	vadd.s32 s14, v4;
	v18 =	vld.idx.msk [tilespmem:v36+s2+$0x0], $0xffff;
	v31 =	vadd.s32 $0x4000, v22;
	[tilespmem:v24+s0+$0x0] =	vst.idx.msk $0xffff, v3  }
0x112: {  	v3 =	vmul.f32 v30, v30;
	[tilespmem:v57+s0+$0x0] =	vst.idx.msk $0xffff, v1;
	v1 =	vmul.f32 v23, v23;
	v23 =	vld [tilespmem:s29+$0x8800]  }
0x113: {  	v24 =	vsub.f32 v39, v25;
	v0 =	vsub.f32 v40, v0;
	v25 =	vld [tilespmem:s4+$0x8A00]  }
0x114: {  	v30 =	vadd.s32 $0x4000, v19;
	v22 =	vld.idx.msk [tilespmem:v22+s2+$0x0], $0xffff;
	v1 =	vadd.f32 v3, v1;
	v3 =	vadd.s32 s26, v10  }
0x115: {  	v34 =	vmov v56;
	v24 =	vmul.f32 v24, v24;
	v0 =	vmul.f32 v0, v0;
	v16 =	vld [tilespmem:s21+$0x9200]  }
0x116: {  	v2 =	vsub.f32 v34, v2;
	v18 =	vsub.f32 v27, v18;
	s21 =	sor.u32 s16, s7;
	[tilespmem:v17+s0+$0x0] =	vst.idx.msk $0xffff, v1;
	v1 =	vld.idx.msk [tilespmem:v31+s2+$0x0], $0xffff  }
0x117: {  	v0 =	vadd.f32 v0, v24;
	v17 =	vadd.s32 s8, v10;
	v31 =	vld [tilespmem:s21+$0x8200];
	v24 =	vadd.s32 $0x4000, v23  }
0x118: {  	v2 =	vmul.f32 v2, v2;
	v19 =	vld.idx.msk [tilespmem:v19+s2+$0x0], $0xffff;
	v18 =	vmul.f32 v18, v18  }
0x119: {  	v30 =	vld.idx.msk [tilespmem:v30+s2+$0x0], $0xffff;
	[tilespmem:v3+s0+$0x0] =	vst.idx.msk $0xffff, v0  }
0x11a: {  	v58 =	vadd.s32 $0x4000, v25;
	v0 =	vadd.f32 v18, v2;
	v2 =	vld [tilespmem:s3+$0x8E00]  }
0x11b: {  	v18 =	vsub.f32 v7, v22;
	v3 =	vld.idx.msk [tilespmem:v23+s2+$0x0], $0xffff;
	v1 =	vsub.f32 v8, v1  }
0x11c: {  	v22 =	vadd.s32 s11, v5;
	[tilespmem:v17+s0+$0x0] =	vst.idx.msk $0xffff, v0;
	v0 =	vadd.s32 $0x4000, v31;
	v17 =	vld.idx.msk [tilespmem:v24+s2+$0x0], $0xffff  }
0x11d: {  	v25 =	vld.idx.msk [tilespmem:v25+s2+$0x0], $0xffff;
	v18 =	vmul.f32 v18, v18;
	v1 =	vmul.f32 v1, v1  }
0x11e: {  	v23 =	vld [tilespmem:s9+$0x8E00]  }
0x11f: {  	v59 =	vadd.s32 s12, v55;
	v61 =	vadd.s32 $0x4000, v16;
	v24 =	vld.idx.msk [tilespmem:v58+s2+$0x0], $0xffff;
	v1 =	vadd.f32 v1, v18  }
0x120: {  	v18 =	vsub.f32 v13, v19;
	v19 =	vsub.f32 v21, v30;
	v30 =	vadd.s32 $0x4000, v2;
	v31 =	vld.idx.msk [tilespmem:v31+s2+$0x0], $0xffff  }
0x121: {  	v0 =	vld.idx.msk [tilespmem:v0+s2+$0x0], $0xffff;
	[tilespmem:v22+s0+$0x0] =	vst.idx.msk $0xffff, v1;
	v1 =	vsub.f32 v38, v3;
	v3 =	vsub.f32 v35, v17  }
0x122: {  	v17 =	vmul.f32 v18, v18;
	v18 =	vmul.f32 v19, v19;
	v22 =	vadd.s32 s30, v41;
	v19 =	vld [tilespmem:s13+$0x8400]  }
0x123: {  	v37 =	vld.idx.msk [tilespmem:v16+s2+$0x0], $0xffff;
	v1 =	vmul.f32 v1, v1;
	v3 =	vmul.f32 v3, v3  }
0x124: {  	v60 =	vmov v38;
	v38 =	vld.idx.msk [tilespmem:v61+s2+$0x0], $0xffff;
	v16 =	vadd.f32 v18, v17;
	v17 =	vadd.s32 $0x4000, v23  }
0x125: {  	v2 =	vld.idx.msk [tilespmem:v2+s2+$0x0], $0xffff;
	v1 =	vadd.f32 v3, v1  }
0x126: {  	v18 =	vld.idx.msk [tilespmem:v30+s2+$0x0], $0xffff;
	v3 =	vsub.f32 v20, v24;
	[tilespmem:v59+s0+$0x0] =	vst.idx.msk $0xffff, v16;
	v16 =	vsub.f32 v26, v25  }
0x127: {  	v25 =	vsub.f32 v14, v31;
	v24 =	vld [tilespmem:s20+$0x8800];
	v0 =	vsub.f32 v15, v0;
	[tilespmem:v22+s0+$0x0] =	vst.idx.msk $0xffff, v1  }
0x128: {  	v30 =	vadd.s32 $0x4000, v19;
	v3 =	vmul.f32 v3, v3;
	v16 =	vmul.f32 v16, v16;
	v22 =	vld [tilespmem:s29+$0x8A00]  }
0x129: {  	v1 =	vadd.s32 s14, v5;
	v25 =	vmul.f32 v25, v25;
	v17 =	vld.idx.msk [tilespmem:v17+s2+$0x0], $0xffff  }
0x12a: {  	v31 =	vadd.s32 s10, v9;
	v0 =	vmul.f32 v0, v0;
	v3 =	vadd.f32 v3, v16;
	v16 =	vld.idx.msk [tilespmem:v19+s2+$0x0], $0xffff;
	[tilespmem:$0x1FEA0] =	vst v39  }
0x12b: {  	[tilespmem:$0x1FEB0] =	vst v40  }
0x12c: {  	v0 =	vadd.f32 v0, v25;
	v23 =	vld.idx.msk [tilespmem:v23+s2+$0x0], $0xffff  }
0x12d: {  	s17 =	simm.s32 $0x8090;
	v2 =	vsub.f32 v39, v2;
	v18 =	vsub.f32 v40, v18;
	v19 =	vld.idx.msk [tilespmem:v30+s2+$0x0], $0xffff  }
0x12e: {  	v62 =	vld [tilespmem:s17+$0xFFFFFFF0];
	[tilespmem:v1+s0+$0x0] =	vst.idx.msk $0xffff, v0;
	v0 =	vadd.s32 $0x4000, v22  }
0x12f: {  	v2 =	vmul.f32 v2, v2;
	[tilespmem:v31+s0+$0x0] =	vst.idx.msk $0xffff, v3;
	v3 =	vmul.f32 v18, v18;
	v1 =	vadd.s32 s26, v11;
	v18 =	vld [tilespmem:s21+$0x8400]  }
0x130: {  	v25 =	vld [tilespmem:s4+$0x8C00];
	v30 =	vadd.s32 $0x4000, v24  }
0x131: {  	v2 =	vadd.f32 v3, v2;
	v24 =	vld.idx.msk [tilespmem:v24+s2+$0x0], $0xffff  }
0x132: {  	v16 =	vsub.f32 v7, v16;
	v3 =	vld.idx.msk [tilespmem:v22+s2+$0x0], $0xffff;
	v19 =	vsub.f32 v8, v19  }
0x133: {  	v22 =	vadd.s32 s11, v63;
	v0 =	vld.idx.msk [tilespmem:v0+s2+$0x0], $0xffff  }
0x134: {  	s18 =	simm.s32 $0x90;
	[tilespmem:v1+s0+$0x0] =	vst.idx.msk $0xffff, v2;
	v1 =	vld [tilespmem:s17+$0x0];
	v2 =	vmul.f32 v16, v16;
	v16 =	vmul.f32 v19, v19  }
0x135: {  	s15 =	sand.u32 $0x180, s18;
	v30 =	vld.idx.msk [tilespmem:v30+s2+$0x0], $0xffff;
	v51 =	vadd.s32 $0x4000, v25  }
0x136: {  	s23 =	sadd.s32 s15, s6;
	s16 =	sand.u32 $0x70, s18;
	v31 =	vld [tilespmem:s3+$0x9000];
	v19 =	vadd.s32 $0x4000, v18;
	v2 =	vadd.f32 v16, v2  }
0x137: {  	s24 =	sadd.s32 s16, s23;
	v16 =	vld.idx.msk [tilespmem:v18+s2+$0x0], $0xffff  }
0x138: {  	v18 =	vld [tilespmem:s24+$0x0];
	[tilespmem:v22+s0+$0x0] =	vst.idx.msk $0xffff, v2;
	v2 =	vsub.f32 v60, v3;
	v0 =	vsub.f32 v35, v0  }
0x139: {  	v47 =	vadd.s32 s30, v9;
	v3 =	vadd.s32 $0x4000, v1;
	v22 =	vld [tilespmem:s13+$0x8600]  }
0x13a: {  	v49 =	vmov v39;
	s22 =	sadd.s32 s15, s5;
	v39 =	vld.idx.msk [tilespmem:v51+s2+$0x0], $0xffff;
	v2 =	vmul.f32 v2, v2;
	v0 =	vmul.f32 v0, v0  }
0x13b: {  	s17 =	sadd.s32 s16, s22;
	v50 =	vld.idx.msk [tilespmem:v19+s2+$0x0], $0xffff  }
0x13c: {  	v19 =	vld [tilespmem:s17+$0x0];
	v0 =	vadd.f32 v0, v2  }
0x13d: {  	v1 =	vld.idx.msk [tilespmem:v1+s2+$0x0], $0xffff  }
0x13e: {  	v2 =	vld.idx.msk [tilespmem:v3+s2+$0x0], $0xffff;
	v3 =	vadd.s32 $0x4000, v22;
	[tilespmem:v47+s0+$0x0] =	vst.idx.msk $0xffff, v0  }
0x13f: {  	v16 =	vsub.f32 v14, v16;
	v0 =	vadd.s32 $0x4000, v62;
	v33 =	vld [tilespmem:s29+$0x8C00];
	[tilespmem:$0x1FF20] =	vst v27  }
0x140: {  	v52 =	vadd.s32 s14, v63;
	v17 =	vsub.f32 v27, v17;
	v25 =	vld.idx.msk [tilespmem:v25+s2+$0x0], $0xffff  }
0x141: {  	s25 =	simm.s32 $0x80;
	s22 =	simm.s32 $0x5A0;
	v24 =	vsub.f32 v13, v24;
	v16 =	vmul.f32 v16, v16;
	v36 =	vsub.f32 v15, v50;
	v32 =	vld.idx.msk [tilespmem:v62+s2+$0x0], $0xffff  }
0x142: {  	s7 =	sand.u32 $0x180, s25;
	v46 =	vmul.f32 v17, v17;
	v23 =	vsub.f32 v34, v23;
	v45 =	vadd.s32 s22, v4;
	v22 =	vld.idx.msk [tilespmem:v22+s2+$0x0], $0xffff  }
0x143: {  	s18 =	sand.u32 $0x60, s25;
	s23 =	sadd.s32 s7, s5;
	v24 =	vmul.f32 v24, v24;
	v30 =	vsub.f32 v21, v30;
	v36 =	vmul.f32 v36, v36;
	v3 =	vld.idx.msk [tilespmem:v3+s2+$0x0], $0xffff  }
0x144: {  	s23 =	sadd.s32 s18, s23;
	s24 =	sadd.s32 s7, s6;
	v53 =	vadd.s32 $0x4000, v31;
	v1 =	vsub.f32 v19, v1;
	v2 =	vsub.f32 v18, v2;
	v0 =	vld.idx.msk [tilespmem:v0+s2+$0x0], $0xffff;
	[tilespmem:$0x1FF30] =	vst v34  }
0x145: {  	s24 =	sadd.s32 s18, s24;
	v30 =	vmul.f32 v30, v30;
	v47 =	vadd.s32 s12, v41;
	v36 =	vadd.f32 v36, v16;
	v16 =	vmovc v14;
	v14 =	vld [tilespmem:s23+$0x0]  }
0x146: {  	v17 =	vmovc v15;
	v1 =	vmul.f32 v1, v1;
	v44 =	vadd.s32 $0x4000, v33;
	v2 =	vmul.f32 v2, v2;
	v15 =	vld [tilespmem:s24+$0x0]  }
0x147: {  	[tilespmem:v52+s0+$0x0] =	vst.idx.msk $0xffff, v36;
	v58 =	vld.idx.msk [tilespmem:v31+s2+$0x0], $0xffff  }
0x148: {  	v24 =	vadd.f32 v30, v24;
	v1 =	vadd.f32 v2, v1;
	v2 =	vmul.f32 v23, v23;
	v23 =	vld [tilespmem:s21+$0x8600]  }
0x149: {  	v36 =	vld.idx.msk [tilespmem:v53+s2+$0x0], $0xffff;
	v22 =	vsub.f32 v7, v22  }
0x14a: {  	v43 =	vadd.s32 s8, v11;
	s24 =	sor.u32 s16, s15;
	[tilespmem:v47+s0+$0x0] =	vst.idx.msk $0xffff, v24;
	s15 =	simm.s32 $0x500;
	v30 =	vld.idx.msk [tilespmem:v33+s2+$0x0], $0xffff;
	v3 =	vsub.f32 v8, v3  }
0x14b: {  	v54 =	vadd.s32 s11, v55;
	v24 =	vadd.s32 s15, v4;
	[tilespmem:v45+s0+$0x0] =	vst.idx.msk $0xffff, v1;
	v1 =	vmul.f32 v22, v22;
	v56 =	vld.idx.msk [tilespmem:v44+s2+$0x0], $0xffff  }
0x14c: {  	v22 =	vsub.f32 v14, v32;
	v57 =	vld [tilespmem:s24+$0x8200];
	v0 =	vsub.f32 v15, v0;
	v3 =	vmul.f32 v3, v3  }
0x14d: {  	v6 =	vmovc v60;
	v59 =	vld [tilespmem:s20+$0x8A00];
	v2 =	vadd.f32 v46, v2;
	v49 =	vsub.f32 v49, v58;
	v60 =	vadd.s32 $0x4000, v23  }
0x14e: {  	v22 =	vmul.f32 v22, v22;
	v0 =	vmul.f32 v0, v0;
	v1 =	vadd.f32 v3, v1  }
0x14f: {  	v61 =	vadd.s32 s30, v10;
	[tilespmem:v43+s0+$0x0] =	vst.idx.msk $0xffff, v2  }
0x150: {  	v43 =	vmul.f32 v49, v49;
	v0 =	vadd.f32 v0, v22;
	[tilespmem:v54+s0+$0x0] =	vst.idx.msk $0xffff, v1;
	v23 =	vld.idx.msk [tilespmem:v23+s2+$0x0], $0xffff  }
0x151: {  	v48 =	vmovc v40;
	v1 =	vsub.f32 v6, v30;
	v2 =	vsub.f32 v35, v56;
	v22 =	vadd.s32 $0x4000, v57;
	v30 =	vld [tilespmem:s13+$0x8800]  }
0x152: {  	v50 =	vadd.s32 $0x4000, v59;
	v31 =	vld [tilespmem:s9+$0x9000];
	v3 =	vsub.f32 v20, v39;
	[tilespmem:v24+s0+$0x0] =	vst.idx.msk $0xffff, v0;
	v24 =	vsub.f32 v48, v36  }
0x153: {  	s23 =	sor.u32 s18, s7;
	v25 =	vsub.f32 v26, v25;
	v1 =	vmul.f32 v1, v1;
	v2 =	vmul.f32 v2, v2;
	v0 =	vld.idx.msk [tilespmem:v60+s2+$0x0], $0xffff  }
0x154: {  	v62 =	vadd.s32 s10, v10;
	v3 =	vmul.f32 v3, v3;
	v51 =	vld [tilespmem:s23+$0x8200];
	v24 =	vmul.f32 v24, v24  }
0x155: {  	v32 =	vld.idx.msk [tilespmem:v57+s2+$0x0], $0xffff;
	v1 =	vadd.f32 v2, v1;
	v2 =	vmul.f32 v25, v25;
	v25 =	vadd.s32 s26, v12  }
0x156: {  	v22 =	vld.idx.msk [tilespmem:v22+s2+$0x0], $0xffff;
	v23 =	vsub.f32 v16, v23;
	v52 =	vadd.s32 $0x4000, v30  }
0x157: {  	[tilespmem:v61+s0+$0x0] =	vst.idx.msk $0xffff, v1;
	v2 =	vadd.f32 v3, v2;
	v3 =	vadd.f32 v24, v43;
	v24 =	vld.idx.msk [tilespmem:v50+s2+$0x0], $0xffff  }
0x158: {  	v1 =	vld [tilespmem:s29+$0x8E00]  }
0x159: {  	v0 =	vsub.f32 v17, v0;
	[tilespmem:v62+s0+$0x0] =	vst.idx.msk $0xffff, v2;
	v2 =	vmul.f32 v23, v23;
	v23 =	vld.idx.msk [tilespmem:v59+s2+$0x0], $0xffff  }
0x15a: {  	v54 =	vadd.s32 s14, v55;
	v53 =	vld.idx.msk [tilespmem:v30+s2+$0x0], $0xffff;
	[tilespmem:v25+s0+$0x0] =	vst.idx.msk $0xffff, v3;
	v3 =	vadd.s32 $0x4000, v51  }
0x15b: {  	v58 =	vadd.s32 $0x4000, v31;
	v32 =	vsub.f32 v19, v32;
	v0 =	vmul.f32 v0, v0;
	v25 =	vld.idx.msk [tilespmem:v52+s2+$0x0], $0xffff  }
0x15c: {  	v60 =	vadd.s32 s12, v9;
	v40 =	vld [tilespmem:s4+$0x8E00];
	v22 =	vsub.f32 v18, v22  }
0x15d: {  	v57 =	vadd.s32 s22, v5;
	v30 =	vld [tilespmem:s3+$0x9200];
	v32 =	vmul.f32 v32, v32;
	v0 =	vadd.f32 v0, v2  }
0x15e: {  	v2 =	vld.idx.msk [tilespmem:v51+s2+$0x0], $0xffff;
	v24 =	vsub.f32 v21, v24;
	v56 =	vadd.s32 $0x4000, v1;
	v22 =	vmul.f32 v22, v22  }
0x15f: {  	[tilespmem:v54+s0+$0x0] =	vst.idx.msk $0xffff, v0;
	v23 =	vsub.f32 v13, v23;
	v3 =	vld.idx.msk [tilespmem:v3+s2+$0x0], $0xffff;
	v33 =	vsub.f32 v7, v53  }
0x160: {  	v24 =	vmul.f32 v24, v24;
	v0 =	vadd.f32 v22, v32;
	v32 =	vld.idx.msk [tilespmem:v58+s2+$0x0], $0xffff;
	v25 =	vsub.f32 v8, v25  }
0x161: {  	v22 =	vadd.s32 s11, v41;
	v61 =	vadd.s32 $0x4000, v40;
	v1 =	vld.idx.msk [tilespmem:v1+s2+$0x0], $0xffff;
	v23 =	vmul.f32 v23, v23  }
0x162: {  	v59 =	vmul.f32 v33, v33;
	[tilespmem:v57+s0+$0x0] =	vst.idx.msk $0xffff, v0;
	v0 =	vld [tilespmem:s21+$0x8800];
	v25 =	vmul.f32 v25, v25  }
0x163: {  	v39 =	vld.idx.msk [tilespmem:v56+s2+$0x0], $0xffff;
	v23 =	vadd.f32 v24, v23  }
0x164: {  	v44 =	vld [tilespmem:s24+$0x8400];
	v25 =	vadd.f32 v25, v59  }
0x165: {  	v45 =	vld.idx.msk [tilespmem:v30+s2+$0x0], $0xffff;
	[tilespmem:v60+s0+$0x0] =	vst.idx.msk $0xffff, v23  }
0x166: {  	v2 =	vsub.f32 v14, v2;
	v3 =	vsub.f32 v15, v3;
	v24 =	vld.idx.msk [tilespmem:v61+s2+$0x0], $0xffff;
	[tilespmem:v22+s0+$0x0] =	vst.idx.msk $0xffff, v25  }
0x167: {  	v22 =	vld [tilespmem:s13+$0x8A00];
	[tilespmem:$0x1FEC0] =	vst v6  }
0x168: {  	v62 =	vadd.s32 s15, v5;
	v2 =	vmul.f32 v2, v2;
	v3 =	vmul.f32 v3, v3;
	[tilespmem:$0x1FED0] =	vst v35  }
0x169: {  	v1 =	vsub.f32 v6, v1;
	v23 =	vsub.f32 v35, v39;
	v25 =	vld [tilespmem:s20+$0x8C00]  }
0x16a: {  	s17 =	simm.s32 $0x80B0;
	v2 =	vadd.f32 v3, v2;
	v3 =	vadd.s32 $0x4000, v44;
	v36 =	vld.idx.msk [tilespmem:v40+s2+$0x0], $0xffff  }
0x16b: {  	v1 =	vmul.f32 v1, v1;
	v23 =	vmul.f32 v23, v23;
	v54 =	vld [tilespmem:s17+$0x0]  }
0x16c: {  	v31 =	vld.idx.msk [tilespmem:v31+s2+$0x0], $0xffff  }
0x16d: {  	[tilespmem:v62+s0+$0x0] =	vst.idx.msk $0xffff, v2;
	v2 =	vld.idx.msk [tilespmem:v0+s2+$0x0], $0xffff;
	v1 =	vadd.f32 v23, v1;
	v23 =	vadd.s32 $0x4000, v22  }
0x16e: {  	v50 =	vld.idx.msk [tilespmem:v44+s2+$0x0], $0xffff  }
0x16f: {  	v3 =	vld.idx.msk [tilespmem:v3+s2+$0x0], $0xffff  }
0x170: {  	s18 =	simm.s32 $0xB0;
	v48 =	vadd.s32 s30, v11;
	v62 =	vld [tilespmem:s17+$0xFFFFFFF0]  }
0x171: {  	s3 =	sand.u32 $0x180, s18;
	v22 =	vld.idx.msk [tilespmem:v22+s2+$0x0], $0xffff  }
0x172: {  	s16 =	sand.u32 $0x70, s18;
	s25 =	sadd.s32 s3, s5;
	v0 =	vadd.s32 $0x4000, v0;
	v23 =	vld.idx.msk [tilespmem:v23+s2+$0x0], $0xffff  }
0x173: {  	s7 =	sadd.s32 s3, s6;
	s17 =	sadd.s32 s16, s25;
	v49 =	vld [tilespmem:s23+$0x8400]  }
0x174: {  	v42 =	vmov v5;
	s25 =	sadd.s32 s16, s7;
	v5 =	vld [tilespmem:s17+$0x0];
	v40 =	vsub.f32 v19, v50;
	v3 =	vsub.f32 v18, v3  }
0x175: {  	v53 =	vadd.s32 s22, v63;
	v57 =	vmov v6;
	v6 =	vld [tilespmem:s25+$0x0];
	[tilespmem:v48+s0+$0x0] =	vst.idx.msk $0xffff, v1;
	v51 =	vadd.s32 $0x4000, v25  }
0x176: {  	v1 =	vld [tilespmem:s29+$0x9000];
	v40 =	vmul.f32 v40, v40;
	v3 =	vmul.f32 v3, v3  }
0x177: {  	v0 =	vld.idx.msk [tilespmem:v0+s2+$0x0], $0xffff;
	v22 =	vsub.f32 v7, v22;
	v23 =	vsub.f32 v8, v23  }
0x178: {  	v58 =	vadd.s32 s11, v9;
	v39 =	vadd.s32 $0x4000, v49;
	v25 =	vld.idx.msk [tilespmem:v25+s2+$0x0], $0xffff;
	v3 =	vadd.f32 v3, v40  }
0x179: {  	v47 =	vld.idx.msk [tilespmem:v54+s2+$0x0], $0xffff;
	v22 =	vmul.f32 v22, v22;
	v23 =	vmul.f32 v23, v23  }
0x17a: {  	v33 =	vld.idx.msk [tilespmem:v51+s2+$0x0], $0xffff;
	[tilespmem:v53+s0+$0x0] =	vst.idx.msk $0xffff, v3  }
0x17b: {  	v52 =	vadd.s32 $0x4000, v1;
	v3 =	vld [tilespmem:s24+$0x8600];
	v23 =	vadd.f32 v23, v22  }
0x17c: {  	v59 =	vadd.s32 $0x4000, v54;
	v46 =	vld.idx.msk [tilespmem:v49+s2+$0x0], $0xffff  }
0x17d: {  	v24 =	vsub.f32 v20, v24;
	v36 =	vsub.f32 v26, v36;
	v39 =	vld.idx.msk [tilespmem:v39+s2+$0x0], $0xffff;
	[tilespmem:v58+s0+$0x0] =	vst.idx.msk $0xffff, v23  }
0x17e: {  	v61 =	vadd.s32 s10, v11;
	s7 =	simm.s32 $0xA0;
	v2 =	vsub.f32 v16, v2;
	v50 =	vld [tilespmem:s13+$0x8C00]  }
0x17f: {  	v24 =	vmul.f32 v24, v24;
	s17 =	sand.u32 $0x180, s7;
	v60 =	vadd.s32 $0x4000, v62;
	v36 =	vmul.f32 v36, v36;
	v1 =	vld.idx.msk [tilespmem:v1+s2+$0x0], $0xffff  }
0x180: {  	s18 =	sand.u32 $0x60, s7;
	s25 =	sadd.s32 s17, s5;
	v2 =	vmul.f32 v2, v2;
	v0 =	vsub.f32 v17, v0;
	v43 =	vld.idx.msk [tilespmem:v52+s2+$0x0], $0xffff;
	v52 =	vadd.s32 $0x4000, v3  }
0x181: {  	s7 =	sadd.s32 s18, s25;
	v36 =	vadd.f32 v24, v36;
	v51 =	vadd.s32 s14, v41;
	v44 =	vld.idx.msk [tilespmem:v59+s2+$0x0], $0xffff;
	v59 =	vadd.s32 s30, v12  }
0x182: {  	v56 =	vmovc v35;
	v35 =	vld [tilespmem:s7+$0x0];
	v0 =	vmul.f32 v0, v0;
	v25 =	vsub.f32 v13, v25;
	v47 =	vsub.f32 v5, v47  }
0x183: {  	v48 =	vld.idx.msk [tilespmem:v62+s2+$0x0], $0xffff;
	[tilespmem:v61+s0+$0x0] =	vst.idx.msk $0xffff, v36;
	v53 =	vadd.s32 s15, v63;
	v46 =	vsub.f32 v14, v46;
	v54 =	vadd.s32 $0x4000, v50  }
0x184: {  	v0 =	vadd.f32 v0, v2;
	v2 =	vmul.f32 v25, v25;
	v24 =	vsub.f32 v15, v39;
	v3 =	vld.idx.msk [tilespmem:v3+s2+$0x0], $0xffff  }
0x185: {  	v62 =	vmul.f32 v46, v46;
	v1 =	vsub.f32 v57, v1;
	v43 =	vsub.f32 v56, v43;
	v46 =	vld.idx.msk [tilespmem:v52+s2+$0x0], $0xffff  }
0x186: {  	v49 =	vld.idx.msk [tilespmem:v60+s2+$0x0], $0xffff;
	v33 =	vsub.f32 v21, v33;
	v47 =	vmul.f32 v47, v47;
	v25 =	vmul.f32 v24, v24  }
0x187: {  	s25 =	simm.s32 $0x6E0;
	s7 =	sadd.s32 s17, s6;
	v44 =	vsub.f32 v6, v44;
	v1 =	vmul.f32 v1, v1;
	v60 =	vmul.f32 v43, v43;
	v50 =	vld.idx.msk [tilespmem:v50+s2+$0x0], $0xffff  }
0x188: {  	s7 =	sadd.s32 s18, s7;
	v33 =	vmul.f32 v33, v33;
	v58 =	vadd.s32 s25, v4;
	v39 =	vadd.f32 v25, v62;
	v54 =	vld.idx.msk [tilespmem:v54+s2+$0x0], $0xffff  }
0x189: {  	v44 =	vmul.f32 v44, v44;
	[tilespmem:v51+s0+$0x0] =	vst.idx.msk $0xffff, v0;
	v25 =	vld [tilespmem:s7+$0x0];
	v1 =	vadd.f32 v60, v1  }
0x18a: {  	v62 =	vadd.s32 s12, v10;
	[tilespmem:v53+s0+$0x0] =	vst.idx.msk $0xffff, v39;
	v3 =	vsub.f32 v19, v3;
	v53 =	vsub.f32 v18, v46  }
0x18b: {  	v40 =	vadd.s32 s22, v55;
	v61 =	vadd.f32 v44, v47;
	v0 =	vadd.f32 v33, v2;
	[tilespmem:v59+s0+$0x0] =	vst.idx.msk $0xffff, v1  }
0x18c: {  	v24 =	vmovc v13;
	v1 =	vsub.f32 v35, v48;
	v3 =	vmul.f32 v3, v3;
	v33 =	vmul.f32 v53, v53  }
0x18d: {  	s3 =	sor.u32 s16, s3;
	v13 =	vmov v55;
	[tilespmem:v58+s0+$0x0] =	vst.idx.msk $0xffff, v61;
	v55 =	vsub.f32 v7, v50;
	v56 =	vsub.f32 v8, v54  }
0x18e: {  	s16 =	simm.s32 $0x640;
	v57 =	vsub.f32 v25, v49;
	v58 =	vld [tilespmem:s3+$0x8200];
	v59 =	vadd.s32 s11, v10;
	v3 =	vadd.f32 v33, v3  }
0x18f: {  	v2 =	vld [tilespmem:s23+$0x8600];
	[tilespmem:v62+s0+$0x0] =	vst.idx.msk $0xffff, v0;
	v62 =	vadd.s32 s16, v4;
	v60 =	vmul.f32 v55, v55;
	v61 =	vmul.f32 v56, v56  }
0x190: {  	v39 =	vld [tilespmem:s4+$0x9000];
	v1 =	vmul.f32 v1, v1;
	v36 =	vmul.f32 v57, v57;
	[tilespmem:v40+s0+$0x0] =	vst.idx.msk $0xffff, v3  }
0x191: {  	v53 =	vld [tilespmem:s24+$0x8800];
	v3 =	vadd.f32 v61, v60  }
0x192: {  	v49 =	vld [tilespmem:s21+$0x8A00];
	v1 =	vadd.f32 v36, v1  }
0x193: {  	v0 =	vld [tilespmem:s29+$0x9200];
	v54 =	vadd.s32 $0x4000, v58;
	[tilespmem:v59+s0+$0x0] =	vst.idx.msk $0xffff, v3  }
0x194: {  	s29 =	sor.u32 s18, s17;
	[tilespmem:v62+s0+$0x0] =	vst.idx.msk $0xffff, v1;
	v50 =	vadd.s32 $0x4000, v2;
	v55 =	vld [tilespmem:s13+$0x8E00]  }
0x195: {  	v32 =	vsub.f32 v27, v32;
	v31 =	vsub.f32 v34, v31;
	v43 =	vld [tilespmem:s29+$0x8200]  }
0x196: {  	v56 =	vld.idx.msk [tilespmem:v58+s2+$0x0], $0xffff;
	v58 =	vadd.s32 s8, v12;
	v57 =	vadd.s32 $0x4000, v53  }
0x197: {  	v32 =	vmul.f32 v32, v32;
	v31 =	vmul.f32 v31, v31;
	v2 =	vld.idx.msk [tilespmem:v2+s2+$0x0], $0xffff  }
0x198: {  	v36 =	vld.idx.msk [tilespmem:v54+s2+$0x0], $0xffff  }
0x199: {  	v31 =	vadd.f32 v32, v31;
	v1 =	vld.idx.msk [tilespmem:v50+s2+$0x0], $0xffff;
	v59 =	vadd.s32 $0x4000, v55  }
0x19a: {  	v33 =	vld.idx.msk [tilespmem:v53+s2+$0x0], $0xffff  }
0x19b: {  	[tilespmem:v58+s0+$0x0] =	vst.idx.msk $0xffff, v31;
	v60 =	vld.idx.msk [tilespmem:v57+s2+$0x0], $0xffff  }
0x19c: {  	v3 =	vadd.s32 $0x4000, v49;
	v22 =	vld [tilespmem:s9+$0x9200]  }
0x19d: {  	v61 =	vadd.s32 $0x4000, v43;
	v31 =	vsub.f32 v5, v56;
	v36 =	vsub.f32 v6, v36;
	v46 =	vld.idx.msk [tilespmem:v55+s2+$0x0], $0xffff  }
0x19e: {  	v51 =	vadd.s32 $0x4000, v30;
	v62 =	vadd.s32 s25, v42;
	v2 =	vsub.f32 v14, v2;
	v44 =	vld.idx.msk [tilespmem:v59+s2+$0x0], $0xffff  }
0x19f: {  	v52 =	vld [tilespmem:s20+$0x8E00];
	v50 =	vadd.s32 $0x4000, v39;
	v31 =	vmul.f32 v31, v31;
	v36 =	vmul.f32 v36, v36  }
0x1a0: {  	v2 =	vmul.f32 v2, v2;
	v49 =	vld.idx.msk [tilespmem:v49+s2+$0x0], $0xffff;
	v33 =	vsub.f32 v19, v33;
	v32 =	vsub.f32 v18, v60  }
0x1a1: {  	v1 =	vsub.f32 v15, v1;
	v53 =	vadd.s32 $0x4000, v0;
	v3 =	vld.idx.msk [tilespmem:v3+s2+$0x0], $0xffff;
	v36 =	vadd.f32 v36, v31;
	[tilespmem:$0x1FEF0] =	vst v22  }
0x1a2: {  	v33 =	vmul.f32 v33, v33;
	v60 =	vld.idx.msk [tilespmem:v61+s2+$0x0], $0xffff;
	v61 =	vadd.s32 s22, v41;
	v32 =	vmul.f32 v32, v32  }
0x1a3: {  	v1 =	vmul.f32 v1, v1;
	v43 =	vld.idx.msk [tilespmem:v43+s2+$0x0], $0xffff;
	v46 =	vsub.f32 v7, v46;
	v44 =	vsub.f32 v8, v44  }
0x1a4: {  	s18 =	simm.s32 $0x80D0;
	[tilespmem:v62+s0+$0x0] =	vst.idx.msk $0xffff, v36;
	v62 =	vadd.s32 s11, v11;
	v47 =	vld.idx.msk [tilespmem:v0+s2+$0x0], $0xffff;
	v0 =	vadd.s32 $0x4000, v52;
	v32 =	vadd.f32 v32, v33  }
0x1a5: {  	v57 =	vld [tilespmem:s18+$0x0];
	v33 =	vadd.s32 s15, v13;
	v46 =	vmul.f32 v46, v46;
	v44 =	vmul.f32 v44, v44  }
0x1a6: {  	v1 =	vadd.f32 v1, v2;
	v3 =	vsub.f32 v17, v3;
	v40 =	vld [tilespmem:s18+$0xFFFFFFF0]  }
0x1a7: {  	v51 =	vld.idx.msk [tilespmem:v51+s2+$0x0], $0xffff;
	[tilespmem:v61+s0+$0x0] =	vst.idx.msk $0xffff, v32;
	v32 =	vsub.f32 v16, v49;
	v44 =	vadd.f32 v44, v46  }
0x1a8: {  	s9 =	simm.s32 $0xD0;
	v2 =	vadd.s32 s14, v9;
	v58 =	vld.idx.msk [tilespmem:v50+s2+$0x0], $0xffff;
	v36 =	vsub.f32 v35, v43;
	v60 =	vsub.f32 v25, v60  }
0x1a9: {  	s17 =	sand.u32 $0x180, s9;
	v3 =	vmul.f32 v3, v3;
	v56 =	vld [tilespmem:s3+$0x8400];
	v32 =	vmul.f32 v32, v32;
	[tilespmem:v62+s0+$0x0] =	vst.idx.msk $0xffff, v44;
	v62 =	vadd.s32 s16, v42  }
0x1aa: {  	s7 =	sadd.s32 s17, s5;
	s18 =	sand.u32 $0x70, s9;
	v50 =	vld.idx.msk [tilespmem:v0+s2+$0x0], $0xffff;
	v0 =	vmul.f32 v36, v36;
	[tilespmem:v33+s0+$0x0] =	vst.idx.msk $0xffff, v1;
	v1 =	vmul.f32 v60, v60  }
0x1ab: {  	v23 =	vld.idx.msk [tilespmem:v53+s2+$0x0], $0xffff;
	s7 =	sadd.s32 s18, s7;
	v3 =	vadd.f32 v3, v32  }
0x1ac: {  	v30 =	vld [tilespmem:s7+$0x0];
	v0 =	vadd.f32 v1, v0  }
0x1ad: {  	v49 =	vld [tilespmem:s24+$0x8A00];
	[tilespmem:v2+s0+$0x0] =	vst.idx.msk $0xffff, v3  }
0x1ae: {  	s7 =	sadd.s32 s17, s6;
	v61 =	vadd.s32 $0x4000, v56;
	v54 =	vld [tilespmem:s13+$0x9000];
	[tilespmem:v62+s0+$0x0] =	vst.idx.msk $0xffff, v0  }
0x1af: {  	v48 =	vmov v13;
	s7 =	sadd.s32 s18, s7;
	v13 =	vld [tilespmem:$0x1FFC0]  }
0x1b0: {  	v31 =	vld [tilespmem:s7+$0x0]  }
0x1b1: {  	v43 =	vld [tilespmem:s23+$0x8800]  }
0x1b2: {  	v1 =	vld.idx.msk [tilespmem:v56+s2+$0x0], $0xffff  }
0x1b3: {  	v2 =	vld.idx.msk [tilespmem:v61+s2+$0x0], $0xffff  }
0x1b4: {  	v32 =	vmov v20;
	v44 =	vld [tilespmem:s21+$0x8C00];
	v3 =	vadd.s32 $0x4000, v54;
	v20 =	vadd.s32 s8, v13  }
0x1b5: {  	v0 =	vadd.s32 $0x4000, v49;
	v34 =	vld [tilespmem:s29+$0x8400];
	[tilespmem:$0x1FE20] =	vst v20;
	v20 =	vadd.s32 s10, v13  }
0x1b6: {  	v60 =	vld.idx.msk [tilespmem:v49+s2+$0x0], $0xffff;
	[tilespmem:$0x1FE30] =	vst v20;
	v20 =	vadd.s32 s12, v12  }
0x1b7: {  	v28 =	vsub.f32 v28, v38;
	[tilespmem:$0x1FF50] =	vst v20  }
0x1b8: {  	v20 =	vadd.s32 s12, v13;
	v54 =	vld.idx.msk [tilespmem:v54+s2+$0x0], $0xffff  }
0x1b9: {  	v29 =	vsub.f32 v29, v37;
	v28 =	vmul.f32 v28, v28;
	v3 =	vld.idx.msk [tilespmem:v3+s2+$0x0], $0xffff;
	[tilespmem:$0x1FE40] =	vst v20  }
0x1ba: {  	v1 =	vsub.f32 v5, v1;
	v2 =	vsub.f32 v6, v2;
	v37 =	vadd.s32 $0x4000, v34;
	v0 =	vld.idx.msk [tilespmem:v0+s2+$0x0], $0xffff  }
0x1bb: {  	v29 =	vmul.f32 v29, v29;
	v61 =	vadd.s32 $0x4000, v43;
	v56 =	vld.idx.msk [tilespmem:v52+s2+$0x0], $0xffff  }
0x1bc: {  	v1 =	vmul.f32 v1, v1;
	v2 =	vmul.f32 v2, v2;
	v38 =	vld.idx.msk [tilespmem:v39+s2+$0x0], $0xffff;
	v52 =	vadd.s32 s25, v63  }
0x1bd: {  	v55 =	vadd.f32 v28, v29;
	v39 =	vadd.s32 $0x4000, v44;
	v43 =	vld.idx.msk [tilespmem:v43+s2+$0x0], $0xffff  }
0x1be: {  	v28 =	vmovc v26;
	v26 =	vadd.s32 s14, v12;
	v29 =	vsub.f32 v32, v58;
	v1 =	vadd.f32 v2, v1;
	v34 =	vld.idx.msk [tilespmem:v34+s2+$0x0], $0xffff  }
0x1bf: {  	v42 =	vadd.s32 $0x4000, v57;
	v37 =	vld.idx.msk [tilespmem:v37+s2+$0x0], $0xffff;
	v2 =	vsub.f32 v19, v60;
	v0 =	vsub.f32 v18, v0  }
0x1c0: {  	v33 =	vmovc v21;
	v20 =	vadd.s32 s11, v12;
	v60 =	vld.idx.msk [tilespmem:v61+s2+$0x0], $0xffff;
	v54 =	vsub.f32 v7, v54;
	v3 =	vsub.f32 v8, v3  }
0x1c1: {  	[tilespmem:v52+s0+$0x0] =	vst.idx.msk $0xffff, v1;
	v1 =	vmul.f32 v2, v2;
	v2 =	vmul.f32 v0, v0;
	v0 =	vadd.s32 s14, v11  }
0x1c2: {  	v21 =	vadd.s32 s22, v9;
	v27 =	vld.idx.msk [tilespmem:v39+s2+$0x0], $0xffff;
	v54 =	vmul.f32 v54, v54;
	v3 =	vmul.f32 v3, v3;
	[tilespmem:$0x1FF10] =	vst v0  }
0x1c3: {  	v59 =	vadd.s32 s10, v12;
	v29 =	vmul.f32 v29, v29;
	v0 =	vld [tilespmem:s3+$0x8600];
	[tilespmem:$0x1FE50] =	vst v26;
	v26 =	vadd.s32 s14, v13  }
0x1c4: {  	v62 =	vadd.s32 s14, v10;
	v3 =	vadd.f32 v3, v54;
	v1 =	vadd.f32 v2, v1;
	v2 =	vld.idx.msk [tilespmem:v57+s2+$0x0], $0xffff;
	[tilespmem:$0x1FE60] =	vst v26  }
0x1c5: {  	v46 =	vmovc v63;
	v49 =	vadd.s32 s12, v11;
	s12 =	simm.s32 $0xC0;
	v38 =	vsub.f32 v28, v38;
	v54 =	vadd.s32 $0x4000, v40;
	v57 =	vld.idx.msk [tilespmem:v42+s2+$0x0], $0xffff  }
0x1c6: {  	v37 =	vsub.f32 v25, v37;
	s14 =	sand.u32 $0x180, s12;
	[tilespmem:v20+s0+$0x0] =	vst.idx.msk $0xffff, v3;
	v20 =	vsub.f32 v35, v34;
	v61 =	vld.idx.msk [tilespmem:v44+s2+$0x0], $0xffff  }
0x1c7: {  	s10 =	sand.u32 $0x60, s12;
	v38 =	vmul.f32 v38, v38;
	v42 =	vadd.s32 s28, v13;
	[tilespmem:v21+s0+$0x0] =	vst.idx.msk $0xffff, v1;
	v21 =	vadd.s32 s16, v46;
	s28 =	sadd.s32 s14, s5;
	v26 =	vld [tilespmem:s13+$0x9200]  }
0x1c8: {  	v37 =	vmul.f32 v37, v37;
	v58 =	vld [tilespmem:s24+$0x8C00];
	s7 =	sadd.s32 s10, s28;
	v20 =	vmul.f32 v20, v20;
	v63 =	vadd.s32 $0x4000, v0  }
0x1c9: {  	v38 =	vadd.f32 v29, v38;
	s12 =	sadd.s32 s14, s6;
	v29 =	vld [tilespmem:s7+$0x0]  }
0x1ca: {  	s7 =	sadd.s32 s10, s12;
	v54 =	vld.idx.msk [tilespmem:v54+s2+$0x0], $0xffff;
	v20 =	vadd.f32 v37, v20  }
0x1cb: {  	v60 =	vsub.f32 v15, v60;
	v2 =	vsub.f32 v30, v2;
	v37 =	vld [tilespmem:s7+$0x0]  }
0x1cc: {  	v34 =	vadd.s32 s15, v41;
	s12 =	simm.s32 $0x820;
	v52 =	vsub.f32 v31, v57;
	v3 =	vld.idx.msk [tilespmem:v0+s2+$0x0], $0xffff;
	[tilespmem:v21+s0+$0x0] =	vst.idx.msk $0xffff, v20;
	v0 =	vadd.s32 s15, v11  }
0x1cd: {  	v1 =	vsub.f32 v14, v43;
	v44 =	vsub.f32 v16, v61;
	v21 =	vadd.s32 s12, v4;
	v61 =	vld.idx.msk [tilespmem:v63+s2+$0x0], $0xffff;
	[tilespmem:$0x1FE70] =	vst v0  }
0x1ce: {  	v2 =	vmul.f32 v2, v2;
	v52 =	vmul.f32 v52, v52;
	v0 =	vld.idx.msk [tilespmem:v40+s2+$0x0], $0xffff;
	[tilespmem:v59+s0+$0x0] =	vst.idx.msk $0xffff, v38  }
0x1cf: {  	v36 =	vmovc v41;
	v60 =	vmul.f32 v60, v60;
	v41 =	vadd.s32 s15, v12;
	v1 =	vmul.f32 v1, v1;
	v22 =	vld [tilespmem:$0x1FEA0]  }
0x1d0: {  	v43 =	vadd.s32 s15, v13;
	v2 =	vadd.f32 v52, v2;
	v63 =	vld [tilespmem:s29+$0x8600];
	[tilespmem:$0x1FE80] =	vst v41  }
0x1d1: {  	v1 =	vadd.f32 v60, v1;
	[tilespmem:$0x1FE90] =	vst v43  }
0x1d2: {  	v20 =	vadd.s32 $0x4000, v58;
	[tilespmem:v21+s0+$0x0] =	vst.idx.msk $0xffff, v2  }
0x1d3: {  	v27 =	vsub.f32 v17, v27;
	[tilespmem:v34+s0+$0x0] =	vst.idx.msk $0xffff, v1  }
0x1d4: {  	v45 =	vsub.f32 v22, v45;
	v22 =	vld [tilespmem:$0x1FEB0]  }
0x1d5: {  	v27 =	vmul.f32 v27, v27;
	v57 =	vmul.f32 v44, v44  }
0x1d6: {  	v58 =	vld.idx.msk [tilespmem:v58+s2+$0x0], $0xffff  }
0x1d7: {  	v27 =	vadd.f32 v27, v57;
	v20 =	vld.idx.msk [tilespmem:v20+s2+$0x0], $0xffff  }
0x1d8: {  	s8 =	sor.u32 s18, s17;
	v1 =	vadd.s32 $0x4000, v26;
	v2 =	vsub.f32 v5, v3;
	v38 =	vld [tilespmem:s4+$0x9200];
	v3 =	vsub.f32 v6, v61  }
0x1d9: {  	v54 =	vsub.f32 v37, v54;
	v21 =	vld [tilespmem:s8+$0x8200];
	v34 =	vsub.f32 v22, v51;
	v51 =	vadd.s32 s25, v48  }
0x1da: {  	s28 =	simm.s32 $0x780;
	v57 =	vld [tilespmem:s23+$0x8A00];
	v2 =	vmul.f32 v2, v2;
	v0 =	vsub.f32 v29, v0;
	v3 =	vmul.f32 v3, v3  }
0x1db: {  	v59 =	vadd.s32 s28, v4;
	v41 =	vld.idx.msk [tilespmem:v26+s2+$0x0], $0xffff;
	v44 =	vadd.s32 $0x4000, v63;
	[tilespmem:v62+s0+$0x0] =	vst.idx.msk $0xffff, v27  }
0x1dc: {  	v54 =	vmul.f32 v54, v54;
	v61 =	vld [tilespmem:s21+$0x8E00];
	v0 =	vmul.f32 v0, v0;
	v2 =	vadd.f32 v3, v2  }
0x1dd: {  	v40 =	vmov v35;
	v35 =	vld.idx.msk [tilespmem:v1+s2+$0x0], $0xffff;
	v62 =	vsub.f32 v19, v58  }
0x1de: {  	v1 =	vadd.s32 s26, v13;
	v58 =	vld.idx.msk [tilespmem:v63+s2+$0x0], $0xffff;
	v43 =	vadd.s32 $0x4000, v21;
	v0 =	vadd.f32 v54, v0;
	[tilespmem:v51+s0+$0x0] =	vst.idx.msk $0xffff, v2  }
0x1df: {  	v20 =	vsub.f32 v18, v20;
	v63 =	vadd.s32 $0x4000, v57;
	v51 =	vld [tilespmem:s3+$0x8800];
	[tilespmem:$0x1FF00] =	vst v1  }
0x1e0: {  	[tilespmem:v59+s0+$0x0] =	vst.idx.msk $0xffff, v0;
	v26 =	vld.idx.msk [tilespmem:v44+s2+$0x0], $0xffff  }
0x1e1: {  	v50 =	vsub.f32 v33, v50;
	v20 =	vmul.f32 v20, v20;
	v2 =	vadd.s32 s22, v10;
	v0 =	vld [tilespmem:$0x1FEC0]  }
0x1e2: {  	v56 =	vsub.f32 v24, v56;
	v3 =	vmul.f32 v34, v34;
	v34 =	vmul.f32 v62, v62;
	v21 =	vld.idx.msk [tilespmem:v21+s2+$0x0], $0xffff  }
0x1e3: {  	v54 =	vld.idx.msk [tilespmem:v43+s2+$0x0], $0xffff  }
0x1e4: {  	v50 =	vmul.f32 v50, v50;
	v56 =	vmul.f32 v56, v56;
	s4 =	sor.u32 s10, s14;
	v20 =	vadd.f32 v20, v34;
	v63 =	vld.idx.msk [tilespmem:v63+s2+$0x0], $0xffff  }
0x1e5: {  	v45 =	vmul.f32 v45, v45;
	v60 =	vld [tilespmem:s4+$0x8200]  }
0x1e6: {  	v53 =	vadd.s32 s15, v9;
	v62 =	vsub.f32 v0, v47;
	v0 =	vld [tilespmem:$0x1FED0];
	[tilespmem:v2+s0+$0x0] =	vst.idx.msk $0xffff, v20;
	v2 =	vadd.f32 v50, v56  }
0x1e7: {  	v52 =	vadd.f32 v3, v45;
	v1 =	vadd.s32 $0x4000, v61;
	v26 =	vsub.f32 v25, v26;
	[tilespmem:v42+s0+$0x0] =	vst.idx.msk $0xffff, v55;
	v20 =	vld [tilespmem:s24+$0x8E00]  }
0x1e8: {  	v21 =	vsub.f32 v30, v21;
	[tilespmem:v49+s0+$0x0] =	vst.idx.msk $0xffff, v2;
	v2 =	vsub.f32 v7, v41;
	v41 =	vld.idx.msk [tilespmem:v57+s2+$0x0], $0xffff  }
0x1e9: {  	v59 =	vadd.s32 s16, v48;
	v54 =	vsub.f32 v31, v54;
	v63 =	vsub.f32 v15, v63;
	v4 =	vld [tilespmem:$0x1FFE0]  }
0x1ea: {  	v56 =	vadd.s32 $0x4000, v51;
	v26 =	vmul.f32 v26, v26;
	v50 =	vmul.f32 v62, v62;
	v42 =	vld [tilespmem:s20+$0x9000]  }
0x1eb: {  	v27 =	vmovc v48;
	v61 =	vld.idx.msk [tilespmem:v61+s2+$0x0], $0xffff;
	v62 =	vsub.f32 v8, v35;
	v7 =	vsub.f32 v40, v58;
	v8 =	vadd.s32 $0x4000, v60  }
0x1ec: {  	v48 =	vld.idx.msk [tilespmem:v1+s2+$0x0], $0xffff;
	v21 =	vmul.f32 v21, v21;
	v54 =	vmul.f32 v54, v54;
	v0 =	vsub.f32 v0, v23  }
0x1ed: {  	v51 =	vld.idx.msk [tilespmem:v51+s2+$0x0], $0xffff;
	v57 =	vmul.f32 v62, v62;
	v49 =	vmul.f32 v7, v7;
	v35 =	vadd.s32 $0x4000, v20  }
0x1ee: {  	v60 =	vld.idx.msk [tilespmem:v60+s2+$0x0], $0xffff;
	v3 =	vmul.f32 v0, v0;
	v41 =	vsub.f32 v14, v41;
	v0 =	vadd.s32 s12, v4  }
0x1ef: {  	v62 =	vadd.s32 s16, v13;
	v56 =	vld.idx.msk [tilespmem:v56+s2+$0x0], $0xffff;
	v49 =	vadd.f32 v26, v49;
	v1 =	vadd.s32 $0x4000, v42  }
0x1f0: {  	v63 =	vmul.f32 v63, v63;
	v55 =	vld.idx.msk [tilespmem:v8+s2+$0x0], $0xffff;
	[tilespmem:$0x1FEE0] =	vst v62;
	v41 =	vmul.f32 v41, v41  }
0x1f1: {  	v21 =	vadd.f32 v54, v21;
	v2 =	vmul.f32 v2, v2;
	[tilespmem:v59+s0+$0x0] =	vst.idx.msk $0xffff, v49;
	v20 =	vld.idx.msk [tilespmem:v20+s2+$0x0], $0xffff  }
0x1f2: {  	v8 =	vld [tilespmem:$0x1FEF0];
	v41 =	vadd.f32 v63, v41  }
0x1f3: {  	v2 =	vadd.f32 v57, v2;
	v49 =	vld.idx.msk [tilespmem:v35+s2+$0x0], $0xffff;
	[tilespmem:v0+s0+$0x0] =	vst.idx.msk $0xffff, v21  }
0x1f4: {  	v21 =	vsub.f32 v5, v51;
	v51 =	vsub.f32 v6, v56;
	[tilespmem:v53+s0+$0x0] =	vst.idx.msk $0xffff, v41;
	v62 =	vld.idx.msk [tilespmem:v1+s2+$0x0], $0xffff  }
0x1f5: {  	v57 =	vadd.s32 s30, v13;
	v35 =	vsub.f32 v29, v60;
	v41 =	vadd.s32 s25, v36;
	v1 =	vld [tilespmem:$0x1FF00]  }
0x1f6: {  	v59 =	vsub.f32 v37, v55;
	v21 =	vmul.f32 v21, v21;
	v51 =	vmul.f32 v51, v51  }
0x1f7: {  	v3 =	vadd.f32 v3, v50;
	v55 =	vadd.s32 s28, v4  }
0x1f8: {  	v54 =	vmul.f32 v35, v35;
	v53 =	vmul.f32 v59, v59;
	v21 =	vadd.f32 v51, v21  }
0x1f9: {  	v20 =	vsub.f32 v19, v20;
	v49 =	vsub.f32 v18, v49;
	v51 =	vadd.s32 s11, v13  }
0x1fa: {  	v50 =	vadd.s32 $0x4000, v8;
	v60 =	vadd.f32 v53, v54;
	[tilespmem:v41+s0+$0x0] =	vst.idx.msk $0xffff, v21;
	v21 =	vadd.s32 s22, v11  }
0x1fb: {  	[tilespmem:v57+s0+$0x0] =	vst.idx.msk $0xffff, v3;
	v20 =	vmul.f32 v20, v20;
	v59 =	vld.idx.msk [tilespmem:v8+s2+$0x0], $0xffff;
	v8 =	vmul.f32 v49, v49  }
0x1fc: {  	[tilespmem:v55+s0+$0x0] =	vst.idx.msk $0xffff, v60  }
0x1fd: {  	v3 =	vadd.f32 v8, v20;
	[tilespmem:v1+s0+$0x0] =	vst.idx.msk $0xffff, v52  }
0x1fe: {  	[tilespmem:v51+s0+$0x0] =	vst.idx.msk $0xffff, v2  }
0x1ff: {  	v0 =	vld [tilespmem:s29+$0x8800];
	[tilespmem:v21+s0+$0x0] =	vst.idx.msk $0xffff, v3  }
0x200: {  	v1 =	vld [tilespmem:$0x1FF10]  }
0x201: {  	v56 =	vld [tilespmem:s8+$0x8400]  }
0x202: {  	v48 =	vsub.f32 v17, v48;
	v35 =	vsub.f32 v16, v61;
	_ =	sdelay $0x1  }
0x203: {  	v48 =	vmul.f32 v48, v48;
	v42 =	vld.idx.msk [tilespmem:v42+s2+$0x0], $0xffff;
	v53 =	vmul.f32 v35, v35;
	_ =	sdelay $0x1  }
0x204: {  	v23 =	vmov v6;
	v35 =	vadd.f32 v48, v53;
	v6 =	vadd.s32 $0x4000, v56  }
0x205: {  	v63 =	vld.idx.msk [tilespmem:v50+s2+$0x0], $0xffff  }
0x206: {  	v43 =	vadd.s32 s16, v9;
	v60 =	vld.idx.msk [tilespmem:v0+s2+$0x0], $0xffff;
	[tilespmem:v1+s0+$0x0] =	vst.idx.msk $0xffff, v35  }
0x207: {  	v49 =	vadd.s32 s28, v9;
	v9 =	vsub.f32 v24, v42;
	v8 =	vsub.f32 v33, v62;
	v1 =	vld [tilespmem:$0x1FF20]  }
0x208: {  	v44 =	vadd.s32 s16, v11;
	v58 =	vld [tilespmem:s23+$0x8C00];
	v50 =	vadd.s32 s28, v27  }
0x209: {  	v27 =	vadd.s32 s28, v11;
	v11 =	vmul.f32 v9, v9;
	v4 =	vld.idx.msk [tilespmem:v6+s2+$0x0], $0xffff;
	v3 =	vmul.f32 v8, v8;
	_ =	sdelay $0x1  }
0x20a: {  	v61 =	vadd.s32 $0x4000, v0;
	v55 =	vld [tilespmem:s3+$0x8A00];
	v53 =	vadd.f32 v3, v11  }
0x20b: {  	v3 =	vsub.f32 v40, v60;
	v35 =	vsub.f32 v1, v63;
	v1 =	vld [tilespmem:$0x1FF30]  }
0x20c: {  	v20 =	vadd.s32 $0x4000, v58;
	v0 =	vld [tilespmem:s4+$0x8400]  }
0x20d: {  	v60 =	vmul.f32 v3, v3;
	v3 =	vsub.f32 v31, v4;
	v4 =	vld [tilespmem:$0x1FF50]  }
0x20e: {  	v39 =	vadd.s32 s15, v10;
	v2 =	vld.idx.msk [tilespmem:v56+s2+$0x0], $0xffff  }
0x20f: {  	v45 =	vadd.s32 s16, v10;
	v48 =	vadd.s32 s28, v10;
	v62 =	vld.idx.msk [tilespmem:v61+s2+$0x0], $0xffff;
	v10 =	vadd.s32 $0x4000, v55  }
0x210: {  	v41 =	vmov v37;
	v54 =	vld [tilespmem:s24+$0x9000];
	v37 =	vsub.f32 v1, v59;
	v1 =	vadd.s32 $0x4000, v38  }
0x211: {  	v34 =	vadd.s32 s16, v12;
	v59 =	vld.idx.msk [tilespmem:v20+s2+$0x0], $0xffff;
	[tilespmem:$0x1FF40] =	vst v1  }
0x212: {  	v22 =	vmovc v5;
	v47 =	vadd.s32 s16, v36;
	v7 =	vmovc v36;
	v42 =	vadd.s32 s28, v12;
	v52 =	vadd.s32 s28, v46;
	v58 =	vld.idx.msk [tilespmem:v58+s2+$0x0], $0xffff  }
0x213: {  	v26 =	vmovc v18;
	v51 =	vadd.s32 s28, v7;
	v56 =	vmul.f32 v35, v35;
	v1 =	vmul.f32 v37, v37;
	v61 =	vld.idx.msk [tilespmem:v55+s2+$0x0], $0xffff  }
0x214: {  	v36 =	vmovc v19;
	v18 =	vmovc v38;
	v21 =	vadd.s32 s28, v13;
	v2 =	vsub.f32 v30, v2;
	v63 =	vadd.s32 $0x4000, v0;
	v57 =	vld.idx.msk [tilespmem:v10+s2+$0x0], $0xffff  }
0x215: {  	s13 =	simm.s32 $0x80F0;
	s10 =	simm.s32 $0x820;
	s11 =	simm.s32 $0xC;
	[tilespmem:v4+s0+$0x0] =	vst.idx.msk $0xffff, v53;
	v55 =	vadd.s32 $0x4000, v54;
	v0 =	vld.idx.msk [tilespmem:v0+s2+$0x0], $0xffff;
	v53 =	vadd.f32 v56, v1;
	v1 =	vadd.s32 s12, v46  }
.LBB2_2:
0x216: {  	v56 =	vld [tilespmem:s13+$0x0]  }
0x217: {  	v4 =	vld [tilespmem:s13+$0xFFFFFFF0]  }
0x218: {  	v5 =	vld [tilespmem:$0x1FE20]  }
0x219: {  	v11 =	vld [tilespmem:$0x1FE40]  }
0x21a: {  	[tilespmem:$0x1FE10] =	vst v34;
	v34 =	vld [tilespmem:$0x1FE60]  }
0x21b: {  	v3 =	vmul.f32 v3, v3;
	v55 =	vld.idx.msk [tilespmem:v55+s2+$0x0], $0xffff;
	v2 =	vmul.f32 v2, v2  }
0x21c: {  	v10 =	vld [tilespmem:$0x1FF80]  }
0x21d: {  	v62 =	vsub.f32 v25, v62;
	s9 =	sadd.s32 $0x20, s9;
	v37 =	vld [tilespmem:$0x1FE90];
	v2 =	vadd.f32 v3, v2  }
0x21e: {  	v38 =	vld [tilespmem:$0x1FEE0];
	s15 =	sand.u32 $0x180, s9  }
0x21f: {  	s16 =	sand.u32 $0x70, s9;
	s17 =	sadd.s32 s15, s5;
	v3 =	vmul.f32 v62, v62;
	v35 =	vsub.f32 v14, v58;
	v58 =	vld.idx.msk [tilespmem:v54+s2+$0x0], $0xffff;
	[tilespmem:v1+s0+$0x0] =	vst.idx.msk $0xffff, v2  }
0x220: {  	s17 =	sadd.s32 s16, s17;
	v1 =	vsub.f32 v22, v61;
	v2 =	vsub.f32 v23, v57;
	v46 =	vadd.s32 $0x4000, v56;
	v62 =	vld [tilespmem:s8+$0x8600]  }
0x221: {  	s26 =	sadd.s32 s15, s6;
	v9 =	vmov v11;
	v11 =	vadd.s32 s25, v10;
	v61 =	vld [tilespmem:s17+$0x0]  }
0x222: {  	s17 =	sadd.s32 s16, s26;
	v1 =	vmul.f32 v1, v1;
	v2 =	vmul.f32 v2, v2;
	[tilespmem:v5+s0+$0x0] =	vst.idx.msk $0xffff, v53;
	v5 =	vld [tilespmem:$0x1FE30]  }
0x223: {  	v3 =	vadd.f32 v3, v60;
	v60 =	vld [tilespmem:s17+$0x0]  }
0x224: {  	v1 =	vadd.f32 v2, v1;
	v2 =	vld.idx.msk [tilespmem:v56+s2+$0x0], $0xffff  }
0x225: {  	v7 =	vmov v37;
	v37 =	vld.idx.msk [tilespmem:v46+s2+$0x0], $0xffff  }
0x226: {  	[tilespmem:v11+s0+$0x0] =	vst.idx.msk $0xffff, v1;
	v11 =	vld [tilespmem:$0x1FFB0]  }
0x227: {  	v59 =	vsub.f32 v15, v59;
	v6 =	vmov v5;
	v5 =	vmov v21;
	v21 =	vld.idx.msk [tilespmem:v63+s2+$0x0], $0xffff  }
0x228: {  	v12 =	vld [tilespmem:$0x1FF60]  }
0x229: {  	v59 =	vmul.f32 v59, v59;
	v53 =	vmul.f32 v35, v35;
	v35 =	vld [tilespmem:$0x1FFD0];
	[tilespmem:$0x1FEE0] =	vst v5;
	v5 =	vadd.s32 $0x4000, v4  }
0x22a: {  	v0 =	vsub.f32 v29, v0;
	v8 =	vmovc v34;
	v34 =	vmovc v18;
	v18 =	vmov v36;
	[tilespmem:$0x1FE30] =	vst v9;
	v54 =	vld [tilespmem:s21+$0x9000];
	v46 =	vmov v45  }
0x22b: {  	v45 =	vmov v44;
	v44 =	vld [tilespmem:$0x1FFE0];
	[tilespmem:v47+s0+$0x0] =	vst.idx.msk $0xffff, v3;
	v3 =	vsub.f32 v36, v58;
	v36 =	vsub.f32 v26, v55  }
0x22c: {  	v57 =	vld [tilespmem:s3+$0x8C00];
	[tilespmem:$0x1FE20] =	vst v6;
	v6 =	vmovc v38;
	v38 =	vadd.s32 $0x4000, v62;
	v1 =	vadd.s32 s22, v11;
	v21 =	vsub.f32 v41, v21  }
0x22d: {  	v53 =	vadd.f32 v59, v53;
	v4 =	vld.idx.msk [tilespmem:v4+s2+$0x0], $0xffff;
	v3 =	vmul.f32 v3, v3;
	v9 =	vmul.f32 v36, v36  }
0x22e: {  	v0 =	vmul.f32 v0, v0;
	v5 =	vld.idx.msk [tilespmem:v5+s2+$0x0], $0xffff;
	v21 =	vmul.f32 v21, v21  }
0x22f: {  	v3 =	vadd.f32 v9, v3;
	[tilespmem:v39+s0+$0x0] =	vst.idx.msk $0xffff, v53;
	v39 =	vmov v15;
	v15 =	vld [tilespmem:$0x1FF90]  }
0x230: {  	s7 =	sadd.s32 $0xFFFFFFF0, s9;
	v0 =	vadd.f32 v21, v0;
	v21 =	vld.idx.msk [tilespmem:v62+s2+$0x0], $0xffff  }
0x231: {  	s14 =	sand.u32 $0x180, s7;
	v62 =	vld.idx.msk [tilespmem:v38+s2+$0x0], $0xffff;
	[tilespmem:v1+s0+$0x0] =	vst.idx.msk $0xffff, v3;
	v1 =	vsub.f32 v61, v2  }
0x232: {  	s7 =	sand.u32 $0x60, s7;
	s18 =	sadd.s32 s14, s5;
	v2 =	vsub.f32 v60, v37;
	v37 =	vmovc v27;
	v27 =	vmovc v24;
	v24 =	vmov v28;
	v28 =	vmov v32;
	v32 =	vld [tilespmem:$0x1FF70]  }
0x233: {  	s28 =	sadd.s32 s14, s6;
	s18 =	sadd.s32 s7, s18;
	v3 =	vld [tilespmem:s24+$0x9200];
	[tilespmem:v52+s0+$0x0] =	vst.idx.msk $0xffff, v0  }
0x234: {  	s12 =	sadd.s32 $0x140, s12;
	s26 =	sadd.s32 s7, s28;
	v55 =	vld [tilespmem:s18+$0x0]  }
0x235: {  	[tilespmem:$0x1FE90] =	vst v6;
	v6 =	vadd.s32 s12, v35;
	v0 =	vadd.s32 $0x4000, v57;
	v53 =	vld [tilespmem:s26+$0x0]  }
0x236: {  	v1 =	vmul.f32 v1, v1;
	v2 =	vmul.f32 v2, v2;
	v9 =	vld [tilespmem:s4+$0x8600]  }
0x237: {  	v19 =	vmov v14;
	s28 =	sadd.s32 $0xFFFFFF60, s12;
	v14 =	vld [tilespmem:s23+$0x8E00]  }
0x238: {  	[tilespmem:$0x1FE40] =	vst v8;
	v8 =	vadd.s32 s28, v12;
	v1 =	vadd.f32 v2, v1;
	v2 =	vld.idx.msk [tilespmem:v57+s2+$0x0], $0xffff  }
0x239: {  	v59 =	vadd.s32 s28, v10;
	v36 =	vsub.f32 v31, v62;
	v62 =	vld [tilespmem:s29+$0x8A00];
	v10 =	vadd.s32 $0x4000, v3  }
0x23a: {  	v12 =	vadd.s32 s10, v12;
	v63 =	vadd.s32 $0x4000, v54;
	s24 =	smov.u32 s3;
	s3 =	smov.u32 s8;
	s8 =	sor.u32 s16, s15;
	v0 =	vld.idx.msk [tilespmem:v0+s2+$0x0], $0xffff;
	[tilespmem:v6+s0+$0x0] =	vst.idx.msk $0xffff, v1;
	v1 =	vsub.f32 v30, v21  }
0x23b: {  	v56 =	vadd.s32 s28, v11;
	v4 =	vsub.f32 v55, v4;
	v5 =	vsub.f32 v53, v5;
	v11 =	vld [tilespmem:s8+$0x8200]  }
0x23c: {  	[tilespmem:$0x1FE60] =	vst v7;
	v7 =	vadd.s32 s28, v35;
	v6 =	vmul.f32 v36, v36;
	v36 =	vld [tilespmem:$0x1FFC0];
	v1 =	vmul.f32 v1, v1  }
0x23d: {  	v13 =	vadd.s32 $0x4000, v9;
	v3 =	vld.idx.msk [tilespmem:v3+s2+$0x0], $0xffff;
	v4 =	vmul.f32 v4, v4;
	v5 =	vmul.f32 v5, v5  }
0x23e: {  	v2 =	vsub.f32 v22, v2;
	v1 =	vadd.f32 v6, v1;
	v6 =	vld.idx.msk [tilespmem:v10+s2+$0x0], $0xffff  }
0x23f: {  	v9 =	vld.idx.msk [tilespmem:v9+s2+$0x0], $0xffff;
	v0 =	vsub.f32 v23, v0;
	v4 =	vadd.f32 v5, v4  }
0x240: {  	v5 =	vadd.s32 $0x4000, v11;
	[tilespmem:v12+s0+$0x0] =	vst.idx.msk $0xffff, v1;
	v1 =	vadd.s32 s25, v15;
	v12 =	vld.idx.msk [tilespmem:v63+s2+$0x0], $0xffff  }
0x241: {  	v2 =	vmul.f32 v2, v2;
	v63 =	vld [tilespmem:s3+$0x8800];
	v0 =	vmul.f32 v0, v0;
	[tilespmem:v7+s0+$0x0] =	vst.idx.msk $0xffff, v4  }
0x242: {  	s14 =	sor.u32 s7, s14;
	v10 =	vadd.s32 $0x4000, v62;
	v4 =	vld.idx.msk [tilespmem:v13+s2+$0x0], $0xffff  }
0x243: {  	v20 =	vmov v48;
	v48 =	vadd.s32 s28, v15;
	v7 =	vld [tilespmem:s14+$0x8200];
	v0 =	vadd.f32 v0, v2  }
0x244: {  	v15 =	vadd.s32 $0x4000, v14;
	v3 =	vsub.f32 v18, v3;
	v2 =	vld.idx.msk [tilespmem:v11+s2+$0x0], $0xffff;
	v6 =	vsub.f32 v26, v6  }
0x245: {  	v5 =	vld.idx.msk [tilespmem:v5+s2+$0x0], $0xffff;
	[tilespmem:v1+s0+$0x0] =	vst.idx.msk $0xffff, v0;
	v0 =	vadd.s32 s22, v36  }
0x246: {  	v3 =	vmul.f32 v3, v3;
	v6 =	vmul.f32 v6, v6;
	v11 =	vld [tilespmem:s24+$0x8E00]  }
0x247: {  	v9 =	vsub.f32 v29, v9;
	v10 =	vld.idx.msk [tilespmem:v10+s2+$0x0], $0xffff;
	v1 =	vadd.s32 $0x4000, v63;
	v4 =	vsub.f32 v41, v4  }
0x248: {  	v21 =	vadd.s32 s28, v36;
	v36 =	vmovc v31;
	v31 =	vmovc v60;
	v60 =	vld.idx.msk [tilespmem:v62+s2+$0x0], $0xffff;
	v13 =	vadd.s32 $0x4000, v7;
	v3 =	vadd.f32 v6, v3  }
0x249: {  	v26 =	vmovc v30;
	v30 =	vmov v61;
	v9 =	vmul.f32 v9, v9;
	v62 =	vld.idx.msk [tilespmem:v15+s2+$0x0], $0xffff;
	v4 =	vmul.f32 v4, v4  }
0x24a: {  	v15 =	vld.idx.msk [tilespmem:v63+s2+$0x0], $0xffff;
	[tilespmem:v0+s0+$0x0] =	vst.idx.msk $0xffff, v3;
	v0 =	vsub.f32 v30, v2;
	v2 =	vsub.f32 v31, v5  }
0x24b: {  	v63 =	vadd.s32 s12, v44;
	v5 =	vld.idx.msk [tilespmem:v7+s2+$0x0], $0xffff;
	v3 =	vadd.s32 $0x4000, v11  }
0x24c: {  	v1 =	vld.idx.msk [tilespmem:v1+s2+$0x0], $0xffff;
	v4 =	vadd.f32 v4, v9;
	v0 =	vmul.f32 v0, v0;
	v2 =	vmul.f32 v2, v2  }
0x24d: {  	v58 =	vadd.s32 s28, v44;
	v10 =	vsub.f32 v25, v10;
	v44 =	vld.idx.msk [tilespmem:v13+s2+$0x0], $0xffff  }
0x24e: {  	[tilespmem:v50+s0+$0x0] =	vst.idx.msk $0xffff, v4;
	v4 =	vsub.f32 v40, v60;
	v0 =	vadd.f32 v2, v0  }
0x24f: {  	v6 =	vsub.f32 v39, v62;
	v2 =	vmul.f32 v10, v10;
	v60 =	vld.idx.msk [tilespmem:v11+s2+$0x0], $0xffff  }
0x250: {  	v62 =	vsub.f32 v26, v15;
	v4 =	vmul.f32 v4, v4;
	v3 =	vld.idx.msk [tilespmem:v3+s2+$0x0], $0xffff;
	[tilespmem:v63+s0+$0x0] =	vst.idx.msk $0xffff, v0  }
0x251: {  	s22 =	smov.u32 s25;
	s25 =	smov.u32 s10;
	v5 =	vsub.f32 v55, v5;
	v1 =	vsub.f32 v36, v1;
	v10 =	vld [tilespmem:s8+$0x8400]  }
0x252: {  	v38 =	vmovc v33;
	v33 =	vld [tilespmem:$0x1FFA0];
	v63 =	vadd.s32 s25, v32;
	v2 =	vadd.f32 v2, v4;
	v4 =	vsub.f32 v53, v44  }
0x253: {  	v7 =	vmul.f32 v62, v62;
	v1 =	vmul.f32 v1, v1  }
0x254: {  	v18 =	vmov v22;
	v5 =	vmul.f32 v5, v5;
	v4 =	vmul.f32 v4, v4  }
0x255: {  	v61 =	vmovc v23;
	v50 =	vmov v8;
	v15 =	vld [tilespmem:$0x1FF40];
	v8 =	vsub.f32 v18, v60;
	v1 =	vadd.f32 v1, v7  }
0x256: {  	v13 =	vld.idx.msk [tilespmem:v14+s2+$0x0], $0xffff;
	v3 =	vsub.f32 v61, v3;
	v4 =	vadd.f32 v4, v5;
	v5 =	vadd.s32 $0x4000, v10  }
0x257: {  	v0 =	vld [tilespmem:s4+$0x8800];
	[tilespmem:v63+s0+$0x0] =	vst.idx.msk $0xffff, v1;
	v1 =	vadd.s32 s22, v33  }
0x258: {  	v47 =	vmovc v51;
	v51 =	vadd.s32 s28, v32;
	v32 =	vld.idx.msk [tilespmem:v54+s2+$0x0], $0xffff;
	v8 =	vmul.f32 v8, v8;
	v3 =	vmul.f32 v3, v3  }
0x259: {  	v22 =	vmov v26;
	v26 =	vmov v61;
	v61 =	vld [tilespmem:s3+$0x8A00]  }
0x25a: {  	v3 =	vadd.f32 v3, v8;
	v8 =	vld.idx.msk [tilespmem:v10+s2+$0x0], $0xffff  }
0x25b: {  	[tilespmem:v43+s0+$0x0] =	vst.idx.msk $0xffff, v2;
	v5 =	vld.idx.msk [tilespmem:v5+s2+$0x0], $0xffff  }
0x25c: {  	[tilespmem:v1+s0+$0x0] =	vst.idx.msk $0xffff, v3;
	v3 =	vld [tilespmem:$0x1FE70]  }
0x25d: {  	v15 =	vld.idx.msk [tilespmem:v15+s2+$0x0], $0xffff  }
0x25e: {  	v2 =	vsub.f32 v19, v13;
	v13 =	vld [tilespmem:s20+$0x9200]  }
0x25f: {  	v12 =	vsub.f32 v17, v12;
	v6 =	vmul.f32 v6, v6;
	s20 =	smov.u32 s21;
	s21 =	smov.u32 s23;
	s23 =	smov.u32 s29;
	v11 =	vld.idx.msk [tilespmem:v34+s2+$0x0], $0xffff  }
0x260: {  	v7 =	vld [tilespmem:s23+$0x8C00];
	v2 =	vmul.f32 v2, v2;
	[tilespmem:v58+s0+$0x0] =	vst.idx.msk $0xffff, v4;
	v4 =	vsub.f32 v16, v32  }
0x261: {  	v12 =	vmul.f32 v12, v12;
	v14 =	vadd.s32 $0x4000, v0  }
0x262: {  	s29 =	smov.u32 s4;
	s4 =	smov.u32 s14;
	v2 =	vadd.f32 v6, v2;
	v0 =	vld.idx.msk [tilespmem:v0+s2+$0x0], $0xffff;
	v4 =	vmul.f32 v4, v4;
	v1 =	vsub.f32 v28, v15  }
0x263: {  	v9 =	vld [tilespmem:s4+$0x8400]  }
0x264: {  	[tilespmem:v3+s0+$0x0] =	vst.idx.msk $0xffff, v2;
	v2 =	vadd.f32 v12, v4;
	v4 =	vmul.f32 v1, v1;
	v1 =	vld [tilespmem:$0x1FE50]  }
0x265: {  	v44 =	vadd.s32 $0x4000, v7;
	_ =	sdelay $0x1  }
0x266: {  	v35 =	vld [tilespmem:$0x1FFF0]  }
0x267: {  	v54 =	vld [tilespmem:s24+$0x9000]  }
0x268: {  	v43 =	vmovc v49;
	v49 =	vmov v59;
	v59 =	vadd.s32 $0x4000, v13;
	v3 =	vsub.f32 v24, v11;
	v62 =	vld.idx.msk [tilespmem:v14+s2+$0x0], $0xffff  }
0x269: {  	[tilespmem:$0x1FF40] =	vst v59;
	v59 =	vld.idx.msk [tilespmem:v44+s2+$0x0], $0xffff  }
0x26a: {  	v6 =	vadd.s32 $0x4000, v61;
	v34 =	vmul.f32 v3, v3;
	v3 =	vsub.f32 v31, v5;
	v5 =	vld [tilespmem:$0x1FE10]  }
0x26b: {  	s11 =	sadd.s32 $0x2, s11;
	v52 =	vadd.s32 s28, v35;
	v57 =	vadd.s32 s28, v33;
	v23 =	vmovc v36;
	v36 =	vmovc v18;
	v33 =	vmov v17;
	[tilespmem:v1+s0+$0x0] =	vst.idx.msk $0xffff, v2;
	v1 =	vld [tilespmem:$0x1FE80]  }
0x26c: {  	p0 =	slt.u32 s11, $0x1E;
	v17 =	vmovc v39;
	v39 =	vmovc v46;
	v32 =	vmov v38;
	v18 =	vmov v13;
	v60 =	vsub.f32 v29, v0  }
.Ltmp0:
0x26d: {  	v28 =	vmovc v27;
	v15 =	vmovc v25;
	v25 =	vmov v41;
	v41 =	vmov v53;
	v27 =	vmov v57;
	(pc) =	sbr.rel @p0 .LBB2_2-.Ltmp0, $4  }
0x26e: {  	v60 =	vmul.f32 v60, v60;
	v61 =	vld.idx.msk [tilespmem:v61+s2+$0x0], $0xffff;
	v14 =	vmovc v40;
	v40 =	vmovc v29;
	v29 =	vmov v55;
	v55 =	vmov v45  }
0x26f: {  	v63 =	vadd.s32 $0x4000, v9;
	v57 =	vld.idx.msk [tilespmem:v6+s2+$0x0], $0xffff;
	v24 =	vmovc v16;
	[tilespmem:$0x1FE70] =	vst v55;
	v53 =	vadd.f32 v4, v34;
	v4 =	vmov v5  }
0x270: {  	v16 =	vmovc v19;
	v45 =	vmovc v20;
	v44 =	vmov v37;
	v55 =	vadd.s32 $0x4000, v54;
	[tilespmem:$0x1FE80] =	vst v4;
	v58 =	vld.idx.msk [tilespmem:v7+s2+$0x0], $0xffff;
	v0 =	vmov v1  }
0x271: {  	s13 =	sadd.s32 $0x20, s13;
	s10 =	smov.u32 s12;
	v34 =	vmovc v42;
	v42 =	vmov v56;
	v2 =	vsub.f32 v30, v8;
	v1 =	vadd.s32 s12, v35;
	[tilespmem:$0x1FE50] =	vst v0;
	v0 =	vld.idx.msk [tilespmem:v9+s2+$0x0], $0xffff  }
0x272: {  	_ =	sdelay $0x3  }
0x273: {  	v4 =	vld.idx.msk [tilespmem:v63+s2+$0x0], $0xffff;
	_ =	sdelay $0x1  }
0x274: {  	v3 =	vmul.f32 v3, v3;
	v2 =	vmul.f32 v2, v2;
	_ =	sdelay $0x1  }
0x275: {  	v2 =	vadd.f32 v3, v2  }
0x276: {  	v0 =	vsub.f32 v29, v0;
	v3 =	vsub.f32 v41, v4  }
0x277: {  	[tilespmem:v1+s0+$0x0] =	vst.idx.msk $0xffff, v2  }
0x278: {  	v1 =	vld [tilespmem:s8+$0x8600];
	v0 =	vmul.f32 v0, v0;
	v2 =	vmul.f32 v3, v3;
	_ =	sdelay $0x1  }
0x279: {  	v0 =	vadd.f32 v2, v0;
	_ =	sdelay $0x1  }
0x27a: {  	[tilespmem:v52+s0+$0x0] =	vst.idx.msk $0xffff, v0  }
0x27b: {  	v0 =	vadd.s32 $0x4000, v1;
	v2 =	vld [tilespmem:s4+$0x8600];
	_ =	sdelay $0x3  }
0x27c: {  	v1 =	vld.idx.msk [tilespmem:v1+s2+$0x0], $0xffff  }
0x27d: {  	v0 =	vld.idx.msk [tilespmem:v0+s2+$0x0], $0xffff;
	v3 =	vadd.s32 $0x4000, v2  }
0x27e: {  	v4 =	vld [tilespmem:$0x1FF60];
	_ =	sdelay $0x2  }
0x27f: {  	v2 =	vld.idx.msk [tilespmem:v2+s2+$0x0], $0xffff  }
0x280: {  	v1 =	vsub.f32 v30, v1;
	v0 =	vsub.f32 v31, v0;
	v3 =	vld.idx.msk [tilespmem:v3+s2+$0x0], $0xffff  }
0x281: {  	v4 =	vadd.s32 s10, v4  }
0x282: {  	v1 =	vmul.f32 v1, v1;
	v0 =	vmul.f32 v0, v0;
	_ =	sdelay $0x1  }
0x283: {  	v0 =	vadd.f32 v0, v1  }
0x284: {  	v1 =	vsub.f32 v29, v2;
	v2 =	vsub.f32 v41, v3  }
0x285: {  	[tilespmem:v4+s0+$0x0] =	vst.idx.msk $0xffff, v0  }
0x286: {  	v1 =	vmul.f32 v1, v1;
	v0 =	vld [tilespmem:s8+$0x8800];
	v2 =	vmul.f32 v2, v2;
	_ =	sdelay $0x1  }
0x287: {  	v1 =	vadd.f32 v2, v1;
	_ =	sdelay $0x1  }
0x288: {  	[tilespmem:v50+s0+$0x0] =	vst.idx.msk $0xffff, v1  }
0x289: {  	v1 =	vadd.s32 $0x4000, v0;
	v2 =	vld [tilespmem:s4+$0x8800];
	_ =	sdelay $0x3  }
0x28a: {  	v0 =	vld.idx.msk [tilespmem:v0+s2+$0x0], $0xffff  }
0x28b: {  	v1 =	vld.idx.msk [tilespmem:v1+s2+$0x0], $0xffff;
	v3 =	vadd.s32 $0x4000, v2  }
0x28c: {  	v5 =	vld [tilespmem:$0x1FF70];
	_ =	sdelay $0x2  }
0x28d: {  	v2 =	vld.idx.msk [tilespmem:v2+s2+$0x0], $0xffff  }
0x28e: {  	v0 =	vsub.f32 v30, v0;
	v1 =	vsub.f32 v31, v1;
	v3 =	vld.idx.msk [tilespmem:v3+s2+$0x0], $0xffff  }
0x28f: {  	v4 =	vsub.f32 v25, v62;
	v5 =	vadd.s32 s10, v5  }
0x290: {  	v0 =	vmul.f32 v0, v0;
	v1 =	vmul.f32 v1, v1  }
0x291: {  	v4 =	vmul.f32 v4, v4  }
0x292: {  	v0 =	vadd.f32 v1, v0;
	v1 =	vsub.f32 v29, v2  }
0x293: {  	v2 =	vsub.f32 v41, v3;
	v3 =	vadd.f32 v4, v60  }
0x294: {  	[tilespmem:v5+s0+$0x0] =	vst.idx.msk $0xffff, v0  }
0x295: {  	[tilespmem:v47+s0+$0x0] =	vst.idx.msk $0xffff, v3;
	v3 =	vld [tilespmem:s8+$0x8A00]  }
0x296: {  	v0 =	vmul.f32 v1, v1;
	v1 =	vmul.f32 v2, v2;
	v8 =	vld [tilespmem:$0x1FF80]  }
0x297: {  	v4 =	vsub.f32 v23, v57;
	v5 =	vld [tilespmem:s29+$0x8A00]  }
0x298: {  	v2 =	vsub.f32 v22, v61;
	v0 =	vadd.f32 v1, v0;
	_ =	sdelay $0x1  }
0x299: {  	v4 =	vmul.f32 v4, v4;
	v2 =	vmul.f32 v2, v2;
	[tilespmem:v51+s0+$0x0] =	vst.idx.msk $0xffff, v0  }
0x29a: {  	v0 =	vld [tilespmem:s4+$0x8A00];
	v1 =	vadd.s32 s25, v8  }
0x29b: {  	v2 =	vadd.f32 v4, v2;
	v4 =	vadd.s32 $0x4000, v3  }
0x29c: {  	v6 =	vadd.s32 $0x4000, v5;
	_ =	sdelay $0x1  }
0x29d: {  	v5 =	vld.idx.msk [tilespmem:v5+s2+$0x0], $0xffff  }
0x29e: {  	[tilespmem:v1+s0+$0x0] =	vst.idx.msk $0xffff, v2;
	v2 =	vld.idx.msk [tilespmem:v3+s2+$0x0], $0xffff;
	v3 =	vadd.s32 $0x4000, v0  }
0x29f: {  	v4 =	vld.idx.msk [tilespmem:v4+s2+$0x0], $0xffff  }
0x2a0: {  	v6 =	vld.idx.msk [tilespmem:v6+s2+$0x0], $0xffff  }
0x2a1: {  	v1 =	vld [tilespmem:s3+$0x8C00]  }
0x2a2: {  	v0 =	vld.idx.msk [tilespmem:v0+s2+$0x0], $0xffff  }
0x2a3: {  	v3 =	vld.idx.msk [tilespmem:v3+s2+$0x0], $0xffff;
	_ =	sdelay $0x1  }
0x2a4: {  	v4 =	vsub.f32 v31, v4  }
0x2a5: {  	v8 =	vadd.s32 s10, v8;
	v5 =	vsub.f32 v40, v5;
	v2 =	vsub.f32 v30, v2  }
0x2a6: {  	v6 =	vsub.f32 v25, v6;
	v7 =	vadd.s32 $0x4000, v1;
	v4 =	vmul.f32 v4, v4  }
0x2a7: {  	v2 =	vmul.f32 v2, v2;
	v0 =	vsub.f32 v29, v0;
	v3 =	vsub.f32 v41, v3  }
0x2a8: {  	v5 =	vmul.f32 v5, v5;
	v6 =	vmul.f32 v6, v6  }
0x2a9: {  	v2 =	vadd.f32 v4, v2;
	v0 =	vmul.f32 v0, v0;
	v3 =	vmul.f32 v3, v3  }
0x2aa: {  	v5 =	vadd.f32 v6, v5  }
0x2ab: {  	v1 =	vld.idx.msk [tilespmem:v1+s2+$0x0], $0xffff;
	[tilespmem:v8+s0+$0x0] =	vst.idx.msk $0xffff, v2;
	v0 =	vadd.f32 v3, v0  }
0x2ac: {  	v4 =	vld.idx.msk [tilespmem:v7+s2+$0x0], $0xffff;
	[tilespmem:v43+s0+$0x0] =	vst.idx.msk $0xffff, v5  }
0x2ad: {  	v2 =	vld [tilespmem:s8+$0x8C00];
	[tilespmem:v49+s0+$0x0] =	vst.idx.msk $0xffff, v0  }
0x2ae: {  	v9 =	vld [tilespmem:$0x1FF90];
	_ =	sdelay $0x2  }
0x2af: {  	v5 =	vld [tilespmem:s29+$0x8C00]  }
0x2b0: {  	v1 =	vsub.f32 v22, v1;
	v3 =	vsub.f32 v23, v4  }
0x2b1: {  	v4 =	vadd.s32 $0x4000, v2;
	v0 =	vadd.s32 s25, v9  }
0x2b2: {  	v1 =	vmul.f32 v1, v1;
	v6 =	vld [tilespmem:s4+$0x8C00];
	v3 =	vmul.f32 v3, v3;
	_ =	sdelay $0x1  }
0x2b3: {  	v7 =	vadd.s32 $0x4000, v5;
	v1 =	vadd.f32 v3, v1  }
0x2b4: {  	v2 =	vld.idx.msk [tilespmem:v2+s2+$0x0], $0xffff  }
0x2b5: {  	[tilespmem:v0+s0+$0x0] =	vst.idx.msk $0xffff, v1;
	v0 =	vld.idx.msk [tilespmem:v4+s2+$0x0], $0xffff  }
0x2b6: {  	v1 =	vadd.s32 $0x4000, v6  }
0x2b7: {  	v5 =	vld.idx.msk [tilespmem:v5+s2+$0x0], $0xffff  }
0x2b8: {  	v7 =	vld.idx.msk [tilespmem:v7+s2+$0x0], $0xffff  }
0x2b9: {  	v3 =	vld [tilespmem:s3+$0x8E00]  }
0x2ba: {  	v2 =	vsub.f32 v30, v2;
	v6 =	vld.idx.msk [tilespmem:v6+s2+$0x0], $0xffff;
	v0 =	vsub.f32 v31, v0  }
0x2bb: {  	v52 =	vsub.f32 v14, v58;
	v9 =	vadd.s32 s10, v9;
	v4 =	vsub.f32 v15, v59;
	v1 =	vld.idx.msk [tilespmem:v1+s2+$0x0], $0xffff  }
0x2bc: {  	v2 =	vmul.f32 v2, v2;
	v0 =	vmul.f32 v0, v0  }
0x2bd: {  	v8 =	vmul.f32 v52, v52;
	v4 =	vmul.f32 v4, v4  }
0x2be: {  	v5 =	vsub.f32 v40, v5;
	v56 =	vadd.s32 $0x4000, v3;
	v0 =	vadd.f32 v0, v2  }
0x2bf: {  	v7 =	vsub.f32 v25, v7;
	v4 =	vadd.f32 v4, v8  }
0x2c0: {  	[tilespmem:v9+s0+$0x0] =	vst.idx.msk $0xffff, v0;
	v0 =	vsub.f32 v41, v1;
	v1 =	vsub.f32 v29, v6  }
0x2c1: {  	v5 =	vmul.f32 v5, v5;
	[tilespmem:v39+s0+$0x0] =	vst.idx.msk $0xffff, v4;
	v4 =	vmul.f32 v7, v7;
	v3 =	vld.idx.msk [tilespmem:v3+s2+$0x0], $0xffff  }
0x2c2: {  	v6 =	vld [tilespmem:s8+$0x8E00];
	v0 =	vmul.f32 v0, v0;
	v1 =	vmul.f32 v1, v1  }
0x2c3: {  	v4 =	vadd.f32 v4, v5;
	v7 =	vld.idx.msk [tilespmem:v56+s2+$0x0], $0xffff  }
0x2c4: {  	v5 =	vld.idx.msk [tilespmem:v54+s2+$0x0], $0xffff;
	v0 =	vadd.f32 v0, v1  }
0x2c5: {  	v2 =	vld [tilespmem:s23+$0x8E00];
	[tilespmem:v45+s0+$0x0] =	vst.idx.msk $0xffff, v4  }
0x2c6: {  	v4 =	vld.idx.msk [tilespmem:v55+s2+$0x0], $0xffff;
	[tilespmem:v48+s0+$0x0] =	vst.idx.msk $0xffff, v0  }
0x2c7: {  	v57 =	vadd.s32 $0x4000, v6;
	v59 =	vld [tilespmem:$0x1FFA0]  }
0x2c8: {  	v3 =	vsub.f32 v22, v3;
	v7 =	vsub.f32 v23, v7;
	v60 =	vld [tilespmem:$0x1FFB0]  }
0x2c9: {  	v1 =	vld [tilespmem:s29+$0x8E00]  }
0x2ca: {  	v3 =	vmul.f32 v3, v3;
	v58 =	vld [tilespmem:s4+$0x8E00];
	v7 =	vmul.f32 v7, v7  }
0x2cb: {  	v5 =	vsub.f32 v36, v5;
	v0 =	vadd.s32 $0x4000, v2;
	v6 =	vld.idx.msk [tilespmem:v6+s2+$0x0], $0xffff  }
0x2cc: {  	v4 =	vsub.f32 v26, v4;
	v3 =	vadd.f32 v7, v3;
	v7 =	vld.idx.msk [tilespmem:v57+s2+$0x0], $0xffff;
	v10 =	vadd.s32 s25, v59  }
0x2cd: {  	v61 =	vadd.s32 s22, v60  }
0x2ce: {  	v5 =	vmul.f32 v5, v5;
	v4 =	vmul.f32 v4, v4;
	v12 =	vadd.s32 $0x4000, v1  }
0x2cf: {  	v2 =	vld.idx.msk [tilespmem:v2+s2+$0x0], $0xffff  }
0x2d0: {  	v4 =	vadd.f32 v4, v5;
	v0 =	vld.idx.msk [tilespmem:v0+s2+$0x0], $0xffff;
	v13 =	vadd.s32 $0x4000, v58  }
0x2d1: {  	v1 =	vld.idx.msk [tilespmem:v1+s2+$0x0], $0xffff;
	v6 =	vsub.f32 v30, v6;
	v7 =	vsub.f32 v31, v7;
	[tilespmem:v10+s0+$0x0] =	vst.idx.msk $0xffff, v3  }
0x2d2: {  	[tilespmem:v61+s0+$0x0] =	vst.idx.msk $0xffff, v4;
	v4 =	vadd.s32 s10, v59;
	v3 =	vld [tilespmem:s3+$0x9000]  }
0x2d3: {  	v39 =	vmov v14;
	v5 =	vld.idx.msk [tilespmem:v12+s2+$0x0], $0xffff;
	v6 =	vmul.f32 v6, v6;
	v7 =	vmul.f32 v7, v7  }
0x2d4: {  	v38 =	vmov v15;
	v2 =	vsub.f32 v39, v2;
	v9 =	vld.idx.msk [tilespmem:v58+s2+$0x0], $0xffff  }
0x2d5: {  	v0 =	vsub.f32 v38, v0;
	v62 =	vld.idx.msk [tilespmem:v13+s2+$0x0], $0xffff;
	v6 =	vadd.f32 v7, v6  }
0x2d6: {  	v2 =	vmul.f32 v2, v2  }
0x2d7: {  	v1 =	vsub.f32 v40, v1;
	v0 =	vmul.f32 v0, v0;
	[tilespmem:v4+s0+$0x0] =	vst.idx.msk $0xffff, v6  }
0x2d8: {  	v5 =	vsub.f32 v25, v5;
	v20 =	vld [tilespmem:$0x1FE70]  }
0x2d9: {  	v1 =	vmul.f32 v1, v1;
	v0 =	vadd.f32 v0, v2;
	v6 =	vsub.f32 v29, v9;
	v4 =	vld [tilespmem:s8+$0x9000]  }
0x2da: {  	v19 =	vadd.s32 $0x4000, v3;
	v2 =	vld.idx.msk [tilespmem:v3+s2+$0x0], $0xffff;
	v3 =	vmul.f32 v5, v5;
	v5 =	vsub.f32 v41, v62;
	_ =	sdelay $0x1  }
0x2db: {  	v1 =	vadd.f32 v3, v1;
	v3 =	vmul.f32 v5, v5;
	v5 =	vmul.f32 v6, v6;
	_ =	sdelay $0x1  }
0x2dc: {  	[tilespmem:v44+s0+$0x0] =	vst.idx.msk $0xffff, v1;
	v1 =	vadd.f32 v3, v5;
	v3 =	vadd.s32 $0x4000, v4  }
0x2dd: {  	v11 =	vld [tilespmem:s21+$0x9000]  }
0x2de: {  	[tilespmem:v20+s0+$0x0] =	vst.idx.msk $0xffff, v0;
	v0 =	vld.idx.msk [tilespmem:v19+s2+$0x0], $0xffff  }
0x2df: {  	v4 =	vld.idx.msk [tilespmem:v4+s2+$0x0], $0xffff  }
0x2e0: {  	v8 =	vld [tilespmem:s23+$0x9000]  }
0x2e1: {  	v3 =	vld.idx.msk [tilespmem:v3+s2+$0x0], $0xffff;
	_ =	sdelay $0x2  }
0x2e2: {  	v35 =	vadd.s32 s25, v60  }
0x2e3: {  	v7 =	vadd.s32 $0x4000, v11;
	[tilespmem:v27+s0+$0x0] =	vst.idx.msk $0xffff, v1;
	v1 =	vsub.f32 v22, v2;
	v0 =	vsub.f32 v23, v0  }
0x2e4: {  	v5 =	vld [tilespmem:s29+$0x9000];
	v4 =	vsub.f32 v30, v4;
	v2 =	vadd.s32 $0x4000, v8;
	v3 =	vsub.f32 v31, v3  }
0x2e5: {  	v48 =	vadd.s32 s10, v60;
	v1 =	vmul.f32 v1, v1;
	v0 =	vmul.f32 v0, v0  }
0x2e6: {  	v27 =	vld [tilespmem:s4+$0x9000];
	v4 =	vmul.f32 v4, v4;
	v3 =	vmul.f32 v3, v3  }
0x2e7: {  	v11 =	vld.idx.msk [tilespmem:v11+s2+$0x0], $0xffff;
	v0 =	vadd.f32 v0, v1  }
0x2e8: {  	v7 =	vld.idx.msk [tilespmem:v7+s2+$0x0], $0xffff;
	v3 =	vadd.f32 v3, v4  }
0x2e9: {  	v37 =	vadd.s32 $0x4000, v5;
	v1 =	vld.idx.msk [tilespmem:v2+s2+$0x0], $0xffff;
	[tilespmem:v35+s0+$0x0] =	vst.idx.msk $0xffff, v0  }
0x2ea: {  	v4 =	vld [tilespmem:$0x1FF40];
	[tilespmem:v48+s0+$0x0] =	vst.idx.msk $0xffff, v3  }
0x2eb: {  	v2 =	vadd.s32 $0x4000, v27;
	v13 =	vld [tilespmem:$0x1FE50]  }
0x2ec: {  	v63 =	vld [tilespmem:s24+$0x9200]  }
0x2ed: {  	v45 =	vsub.f32 v16, v11;
	v7 =	vsub.f32 v17, v7;
	v5 =	vld.idx.msk [tilespmem:v5+s2+$0x0], $0xffff  }
0x2ee: {  	v47 =	vld.idx.msk [tilespmem:v37+s2+$0x0], $0xffff  }
0x2ef: {  	v10 =	vmul.f32 v45, v45;
	v7 =	vmul.f32 v7, v7;
	v9 =	vld.idx.msk [tilespmem:v27+s2+$0x0], $0xffff  }
0x2f0: {  	v2 =	vld.idx.msk [tilespmem:v2+s2+$0x0], $0xffff  }
0x2f1: {  	v7 =	vadd.f32 v7, v10;
	v0 =	vld.idx.msk [tilespmem:v8+s2+$0x0], $0xffff;
	_ =	sdelay $0x1  }
0x2f2: {  	v12 =	vsub.f32 v25, v47;
	v3 =	vsub.f32 v40, v5;
	[tilespmem:v13+s0+$0x0] =	vst.idx.msk $0xffff, v7  }
0x2f3: {  	v9 =	vsub.f32 v29, v9;
	v13 =	vld [tilespmem:$0x1FE80]  }
0x2f4: {  	v3 =	vmul.f32 v3, v3;
	v2 =	vsub.f32 v41, v2;
	v7 =	vmul.f32 v12, v12  }
0x2f5: {  	v44 =	vadd.s32 $0x4000, v63;
	v1 =	vsub.f32 v38, v1;
	v0 =	vsub.f32 v39, v0  }
0x2f6: {  	v2 =	vmul.f32 v2, v2;
	v3 =	vadd.f32 v7, v3;
	v7 =	vmul.f32 v9, v9  }
0x2f7: {  	v1 =	vmul.f32 v1, v1;
	v0 =	vmul.f32 v0, v0  }
0x2f8: {  	v2 =	vadd.f32 v2, v7  }
0x2f9: {  	v46 =	vld [tilespmem:s3+$0x9200];
	v0 =	vadd.f32 v1, v0;
	[tilespmem:v34+s0+$0x0] =	vst.idx.msk $0xffff, v3  }
0x2fa: {  	v6 =	vld.idx.msk [tilespmem:v63+s2+$0x0], $0xffff;
	[tilespmem:v42+s0+$0x0] =	vst.idx.msk $0xffff, v2  }
0x2fb: {  	v8 =	vld.idx.msk [tilespmem:v44+s2+$0x0], $0xffff;
	[tilespmem:v13+s0+$0x0] =	vst.idx.msk $0xffff, v0  }
0x2fc: {  	v19 =	vld [tilespmem:$0x1FFC0]  }
0x2fd: {  	v20 =	vld [tilespmem:$0x1FE20]  }
0x2fe: {  	v43 =	vld [tilespmem:s20+$0x9200];
	v49 =	vadd.s32 $0x4000, v46;
	_ =	sdelay $0x1  }
0x2ff: {  	v50 =	vld.idx.msk [tilespmem:v18+s2+$0x0], $0xffff;
	v3 =	vsub.f32 v36, v6;
	v7 =	vsub.f32 v26, v8  }
0x300: {  	v1 =	vld [tilespmem:s8+$0x9200];
	v2 =	vadd.s32 s22, v19  }
0x301: {  	v11 =	vld.idx.msk [tilespmem:v46+s2+$0x0], $0xffff;
	v3 =	vmul.f32 v3, v3;
	v7 =	vmul.f32 v7, v7  }
0x302: {  	v5 =	vadd.s32 $0x4000, v43;
	v0 =	vld.idx.msk [tilespmem:v49+s2+$0x0], $0xffff  }
0x303: {  	v4 =	vld.idx.msk [tilespmem:v4+s2+$0x0], $0xffff;
	v3 =	vadd.f32 v7, v3  }
0x304: {  	[tilespmem:v20+s0+$0x0] =	vst.idx.msk $0xffff, v53  }
0x305: {  	v55 =	vld.idx.msk [tilespmem:v43+s2+$0x0], $0xffff;
	[tilespmem:v2+s0+$0x0] =	vst.idx.msk $0xffff, v3  }
0x306: {  	v54 =	vadd.s32 $0x4000, v1;
	v63 =	vld [tilespmem:$0x1FE30]  }
0x307: {  	v5 =	vld.idx.msk [tilespmem:v5+s2+$0x0], $0xffff;
	v11 =	vsub.f32 v22, v11;
	v0 =	vsub.f32 v23, v0  }
0x308: {  	v57 =	vsub.f32 v28, v50;
	v4 =	vsub.f32 v32, v4;
	v52 =	vld [tilespmem:s23+$0x9200];
	v2 =	vadd.s32 s25, v19  }
0x309: {  	v11 =	vmul.f32 v11, v11;
	v1 =	vld.idx.msk [tilespmem:v1+s2+$0x0], $0xffff;
	v0 =	vmul.f32 v0, v0  }
0x30a: {  	v14 =	vmul.f32 v57, v57;
	v4 =	vmul.f32 v4, v4;
	v58 =	vld [tilespmem:s4+$0x9200]  }
0x30b: {  	v10 =	vld.idx.msk [tilespmem:v54+s2+$0x0], $0xffff;
	v0 =	vadd.f32 v0, v11  }
0x30c: {  	v4 =	vadd.f32 v4, v14  }
0x30d: {  	v51 =	vld [tilespmem:s21+$0x9200];
	v59 =	vadd.s32 $0x4000, v52;
	[tilespmem:v2+s0+$0x0] =	vst.idx.msk $0xffff, v0  }
0x30e: {  	[tilespmem:v63+s0+$0x0] =	vst.idx.msk $0xffff, v4  }
0x30f: {  	v5 =	vsub.f32 v33, v5;
	v8 =	vsub.f32 v24, v55;
	v60 =	vadd.s32 $0x4000, v58;
	v2 =	vld [tilespmem:$0x1FE40]  }
0x310: {  	v6 =	vld [tilespmem:s29+$0x9200];
	v1 =	vsub.f32 v30, v1;
	v10 =	vsub.f32 v31, v10  }
0x311: {  	v5 =	vmul.f32 v5, v5;
	v8 =	vmul.f32 v8, v8;
	v62 =	vadd.s32 s10, v19;
	v9 =	vld.idx.msk [tilespmem:v52+s2+$0x0], $0xffff  }
0x312: {  	v56 =	vadd.s32 $0x4000, v51;
	v1 =	vmul.f32 v1, v1;
	v10 =	vmul.f32 v10, v10;
	v61 =	vld.idx.msk [tilespmem:v59+s2+$0x0], $0xffff;
	_ =	sdelay $0x1  }
0x313: {  	v0 =	vadd.f32 v10, v1;
	v4 =	vadd.f32 v5, v8;
	v5 =	vld.idx.msk [tilespmem:v60+s2+$0x0], $0xffff  }
0x314: {  	v7 =	vadd.s32 $0x4000, v6  }
0x315: {  	[tilespmem:v62+s0+$0x0] =	vst.idx.msk $0xffff, v0  }
0x316: {  	v13 =	vld.idx.msk [tilespmem:v56+s2+$0x0], $0xffff;
	v0 =	vsub.f32 v38, v61;
	[tilespmem:v2+s0+$0x0] =	vst.idx.msk $0xffff, v4;
	v4 =	vsub.f32 v39, v9  }
0x317: {  	v3 =	vld.idx.msk [tilespmem:v51+s2+$0x0], $0xffff  }
0x318: {  	v6 =	vld.idx.msk [tilespmem:v6+s2+$0x0], $0xffff;
	v0 =	vmul.f32 v0, v0;
	v5 =	vsub.f32 v41, v5;
	v4 =	vmul.f32 v4, v4  }
0x319: {  	v7 =	vld.idx.msk [tilespmem:v7+s2+$0x0], $0xffff  }
0x31a: {  	v0 =	vadd.f32 v0, v4;
	v4 =	vmul.f32 v5, v5;
	v5 =	vld [tilespmem:$0x1FE60];
	_ =	sdelay $0x1  }
0x31b: {  	v3 =	vsub.f32 v16, v3;
	v2 =	vsub.f32 v17, v13;
	_ =	sdelay $0x1  }
0x31c: {  	v3 =	vmul.f32 v3, v3;
	v2 =	vmul.f32 v2, v2  }
0x31d: {  	v6 =	vsub.f32 v40, v6;
	v7 =	vsub.f32 v25, v7  }
0x31e: {  	v2 =	vadd.f32 v2, v3  }
0x31f: {  	v6 =	vmul.f32 v6, v6;
	v3 =	vmul.f32 v7, v7  }
0x320: {  	v1 =	vld.idx.msk [tilespmem:v58+s2+$0x0], $0xffff;
	[tilespmem:v5+s0+$0x0] =	vst.idx.msk $0xffff, v2  }
0x321: {  	v2 =	vadd.f32 v3, v6;
	v3 =	vld [tilespmem:$0x1FE90];
	_ =	sdelay $0x4  }
0x322: {  	v1 =	vsub.f32 v29, v1;
	_ =	sdelay $0x1  }
0x323: {  	v1 =	vmul.f32 v1, v1  }
0x324: {  	[tilespmem:v3+s0+$0x0] =	vst.idx.msk $0xffff, v0  }
0x325: {  	v0 =	vadd.f32 v4, v1;
	v1 =	vld [tilespmem:$0x1FEE0];
	_ =	sdelay $0x6  }
0x326: {  	[tilespmem:v21+s0+$0x0] =	vst.idx.msk $0xffff, v0  }
0x327: {  	[tilespmem:v1+s0+$0x0] =	vst.idx.msk $0xffff, v2  }
0x328: {  	s28 =	rddreg [dreg:$0xf]  }
0x329: {  	[hbm4b:s28+s2] =	stream.linear.scatter [tilespmem:s0], [sflag:$0x2], $0x1400, $0x38;
	[tilespmem:$0xA800] =	vst v63  }
0x32a: {  	_ =	swait.ge [sflag:s1], $0x1400  }
0x32b: {  	s19 =	sadd.s32 $0x1, s19;
	s29 =	rddreg [dreg:$0x10]  }
0x32c: {  	p0 =	sne.s32 s19, s29  }
.Ltmp1:
0x32d: {  	_ = 	snop;
	(pc) =	sbr.rel @p0 .LBB2_1-.Ltmp1, $4  }
0x32e: {  	_ = 	snop  }
0x32f: {  	v4 =	vld [tilespmem:$0x1FFD0]  }
0x330: {  	[sflag:s1] =	ssyncset.done $0x0;
	v1 =	vld [tilespmem:$0x1FFE0]  }
0x331: {  	v2 =	vld [tilespmem:$0x1FFF0];
	[sflag:s1] =	ssyncadd.s32 $0xFFFFEC00  }
0x332: {  	_ =	sfence.sel $0x180000  }
0x333: {  	[bflag:$0x0] =	sbarrier.arrive $0xFFFF  }
0x334: {  	_ =	strace $0x90000047  }
0x335: {  	s0 =	stileid.u32;
	[bflag:$0x2] =	sbarrier.arrive $0xFFFF  }
0x336: {  	p0 =	sne.s32 s0, $0x0;
	s0 =	rddreg [dreg:$0x2]  }
0x337: {  	s0 =	sadd.s32 @!p0 $0x100000, s0  }
0x338: {  	[sflag:s0] =	ssyncadd.tile.s32 @!p0 $0x1;
	_ =	shalt  }
.Lfunc_end2:
_tile_overlayer_lowered:
.L_overlay_start_2:
0x339: {  	(tag) =	ssettag $0x2  }
0x33a: {  	s0 =	rddreg [dreg:$0x0];
	s2 =	stileid.u32  }
0x33b: {  	s1 =	rddreg [dreg:$0x1];
	p0 =	sne.s32 s2, $0x0  }
0x33c: {  	s3 =	rddreg [dreg:$0x2];
	[bflag:$0x3] =	sbarrier.arrive $0xFFFF;
	s2 =	simm.s32 @!p0 $0x1C02  }
0x33d: {  	[timem:s3], [sflag:s2] =	dma.local @!p0 [hbm:s0], s1  }
0x33e: {  	s0 =	simm.s32 @!p0 $0x2  }
0x33f: {  	_ =	swait.ge @!p0 [sflag:s0], s1  }
0x340: {  	s1 =	ssub.s32 @!p0 $0x0, s1;
	[sflag:s0] =	ssyncset.done @!p0 $0x0  }
0x341: {  	[sflag:s0] =	ssyncadd.s32 @!p0 s1  }
0x342: {  	[bflag:$0x3] =	sbarrier.arrive $0xFFFF  }
0x343: {  	_ =	shalt  }

</sc_bundles>
